<compile_context>
chip_gen: v7x
topology: tpu7x:2x2x1
jax: 0.10.2.dev20260603
libtpu: 0.0.44.dev20260713+nightly
codegen_flags: <defaults>
</compile_context>

<pallas_src>
import functools

import jax
import jax.numpy as jnp
from jax import lax
from jax.experimental import pallas as pl
from jax.experimental.pallas import tpu as pltpu
from jax.experimental.pallas import tpu_sc as plsc

VOCAB = 100000
NUM_SPECIAL = 3
DIM = 4096
LANES = 16
NC, NS = 2, 16
NW = NC * NS
BATCH = 1024
SEQ = 20
NB_W = BATCH // NW
PER_W = NB_W * SEQ
ROWS_C = 4
NCPB = SEQ // ROWS_C
SLOT = 8
BSTRIDE = NCPB * SLOT
NBUF = NCPB
TOKPAD = NB_W * BSTRIDE + LANES


def _body(tok_hbm, table_hbm, embed_hbm, out_hbm,
          tok_v, tok_p, emb_v, buf0, buf1, buf2, buf3, buf4,
          gsem0, gsem1, gsem2, gsem3, gsem4,
          ssem0, ssem1, ssem2, ssem3, ssem4):
    wid = lax.axis_index("s") * NC + lax.axis_index("c")
    base = wid * PER_W
    batch0 = wid * NB_W

    pltpu.sync_copy(tok_hbm.at[pl.ds(base, PER_W)], tok_v)
    pltpu.sync_copy(embed_hbm, emb_v)

    lane = lax.iota(jnp.int32, LANES)

    def zero_step(i, carry):
        tok_p[pl.ds(i * LANES, LANES)] = jnp.zeros((LANES,), jnp.int32)
        return carry

    lax.fori_loop(0, TOKPAD // LANES, zero_step, 0)

    def pack_step(i, carry):
        t = i * LANES + lane
        r = t % SEQ
        dst = (t // SEQ) * BSTRIDE + (r // ROWS_C) * SLOT + (r % ROWS_C)
        plsc.store_scatter(tok_p, [dst], tok_v[pl.ds(i * LANES, LANES)])
        return carry

    lax.fori_loop(0, PER_W // LANES, pack_step, 0)

    bufs = (buf0, buf1, buf2, buf3, buf4)
    gsems = (gsem0, gsem1, gsem2, gsem3, gsem4)
    ssems = (ssem0, ssem1, ssem2, ssem3, ssem4)

    def idx_ref(bi, ci):
        return tok_p.at[pl.ds(bi * BSTRIDE + ci * SLOT, ROWS_C)]

    def gather_descr(bi, ci):
        return (table_hbm.at[idx_ref(bi, ci)], bufs[ci], gsems[ci])

    def store_descr(bi, ci):
        return (bufs[ci], out_hbm.at[batch0 + bi, pl.ds(ci * ROWS_C, ROWS_C)],
                ssems[ci])

    def start_gather(bi, ci):
        src, dst, sem = gather_descr(bi, ci)
        pltpu.async_copy(src, dst, sem)

    def wait_gather(bi, ci):
        src, dst, sem = gather_descr(bi, ci)
        pltpu.make_async_copy(src, dst, sem).wait()

    def start_store(bi, ci):
        src, dst, sem = store_descr(bi, ci)
        pltpu.async_copy(src, dst, sem)

    def wait_store(bi, ci):
        src, dst, sem = store_descr(bi, ci)
        pltpu.make_async_copy(src, dst, sem).wait()

    def fixup(bi, ci):
        tokw = tok_p[pl.ds(bi * BSTRIDE + ci * SLOT, LANES)]
        spec = (tokw >= VOCAB) & (lane < ROWS_C)
        any_spec = jnp.max(spec.astype(jnp.int32))

        @pl.when(any_spec > 0)
        def _():
            eidx = jnp.clip(tokw - VOCAB, 0, NUM_SPECIAL - 1)

            def col(c, carry):
                cvec = jnp.full((LANES,), 0, jnp.int32) + c
                vals = plsc.load_gather(emb_v, [eidx, cvec], mask=spec)
                plsc.store_scatter(bufs[ci], [lane, cvec], vals, mask=spec)
                return carry

            lax.fori_loop(0, DIM, col, 0)

    for ci in range(NBUF - 1):
        start_gather(0, ci)

    def step(it, carry):
        for ci in range(NCPB):
            wait_gather(it, ci)
            fixup(it, ci)
            start_store(it, ci)

            pci = ci - 1 if ci > 0 else NCPB - 1
            pit = it if ci > 0 else it - 1
            if ci == 0:
                @pl.when(it > 0)
                def _():
                    wait_store(pit, pci)
            else:
                wait_store(pit, pci)

            carry_b = (ci + NBUF - 1) // NCPB
            nci = (ci + NBUF - 1) % NCPB
            if carry_b == 0:
                start_gather(it, nci)
            else:
                @pl.when(it < NB_W - 1)
                def _():
                    start_gather(it + 1, nci)

        return carry

    lax.fori_loop(0, NB_W, step, 0)

    wait_store(NB_W - 1, NCPB - 1)


@jax.jit
def _run(tokens_flat, table, embed16):
    mesh = plsc.VectorSubcoreMesh(
        core_axis_name="c", subcore_axis_name="s",
        num_cores=NC, num_subcores=NS)
    f = pl.kernel(
        _body,
        out_type=jax.ShapeDtypeStruct((BATCH, SEQ, DIM), jnp.float32),
        mesh=mesh,
        scratch_types=[
            pltpu.VMEM((PER_W,), jnp.int32),
            pltpu.VMEM((TOKPAD,), jnp.int32),
            pltpu.VMEM((NUM_SPECIAL, DIM), jnp.float32),
        ] + [pltpu.VMEM((ROWS_C, DIM), jnp.float32)] * NBUF
          + [pltpu.SemaphoreType.DMA] * (2 * NBUF),
        compiler_params=pltpu.CompilerParams(needs_layout_passes=False),
    )
    return f(tokens_flat, table, embed16)


def kernel(tokens, table, embed):
    embed16 = embed.astype(jnp.float16).astype(jnp.float32)
    return _run(tokens.reshape(-1), table, embed16)

# --- scband reference (transcript-rebuilt; emitter-appended) ---
"""Pipeline reference for scband-condenser-tokenizer-88330297410245 (READ-ONLY COPY).

The authoritative reference and input builder live on the scoring server;
editing this copy changes nothing except your own understanding.
"""

import jax, jax.numpy as jnp
import numpy as np

VOCAB_BASE = 100000   # len_o: size of the base tokenizer vocab
NUM_SPECIAL = 3       # c_BOS, c_EOS, c_med special tokens appended at ids len_o..len_o+2
DIM = 4096            # embedding dim (hardcoded 4096 in CondenserTokenizer.embed)
BATCH = 1024
SEQ = 20


def setup_inputs(seed: int = 0) -> dict:
    key = jax.random.key(seed)
    k1, k2, k3 = jax.random.split(key, 3)
    # token ids include base vocab plus the 3 added special tokens
    tokens = jax.random.randint(k1, (BATCH, SEQ), 0, VOCAB_BASE + NUM_SPECIAL, dtype=jnp.int32)
    # model embedding table (resize_token_embeddings result): [len_o + num_special, 4096]
    table = jax.random.normal(k2, (VOCAB_BASE + NUM_SPECIAL, DIM), dtype=jnp.float32)
    # internal replacement embeddings self.embed: [num_tokens, 4096], normal init (reset_param)
    embed = jax.random.normal(k3, (NUM_SPECIAL, DIM), dtype=jnp.float32)
    return {"tokens": tokens, "table": table, "embed": embed}


def reference(tokens, table, embed):
    # Faithful translation of CondenserTokenizer.extract_embeddings with
    # insert_replacement_embs=True:
    #   emb = embedding_table(tokens)                      -> gather
    #   for k in tok_idx_lookup: emb[tokens == k] = self.embed[k - len_o].half()
    emb = jnp.take(table, tokens, axis=0)  # [B, S, DIM]
    for i in range(NUM_SPECIAL):
        k = VOCAB_BASE + i  # special token id
        # torch assigns .half() values into a float32 tensor -> fp16 round-trip
        repl = embed[i].astype(jnp.float16).astype(emb.dtype)
        mask = (tokens == k)[..., None]
        emb = jnp.where(mask, repl, emb)
    return emb

if __name__ == "__main__":
    import jax
    _d = setup_inputs()
    print(jax.jit(kernel)(*tuple(_d.values())))

</pallas_src>

<mosaic_0001>
#map = affine_map<(d0, d1) -> (0)>
#map1 = affine_map<(d0, d1) -> (0, 0)>
#map2 = affine_map<(d0, d1) -> (0, 0, 0)>
module attributes {stable_mosaic.version = 14 : i64} {
  func.func @_body(%arg0: i32, %arg1: i32, %arg2: memref<20480xi32, #tpu.memory_space<hbm>>, %arg3: memref<100003x4096xf32, #tpu.memory_space<hbm>>, %arg4: memref<3x4096xf32, #tpu.memory_space<hbm>>, %arg5: memref<1024x20x4096xf32, #tpu.memory_space<hbm>>, %arg6: memref<640xi32, #tpu.memory_space<vmem>>, %arg7: memref<1296xi32, #tpu.memory_space<vmem>>, %arg8: memref<3x4096xf32, #tpu.memory_space<vmem>>, %arg9: memref<4x4096xf32, #tpu.memory_space<vmem>>, %arg10: memref<4x4096xf32, #tpu.memory_space<vmem>>, %arg11: memref<4x4096xf32, #tpu.memory_space<vmem>>, %arg12: memref<4x4096xf32, #tpu.memory_space<vmem>>, %arg13: memref<4x4096xf32, #tpu.memory_space<vmem>>, %arg14: memref<!tpu.dma_semaphore, #tpu.memory_space<semaphore_mem>>, %arg15: memref<!tpu.dma_semaphore, #tpu.memory_space<semaphore_mem>>, %arg16: memref<!tpu.dma_semaphore, #tpu.memory_space<semaphore_mem>>, %arg17: memref<!tpu.dma_semaphore, #tpu.memory_space<semaphore_mem>>, %arg18: memref<!tpu.dma_semaphore, #tpu.memory_space<semaphore_mem>>, %arg19: memref<!tpu.dma_semaphore, #tpu.memory_space<semaphore_mem>>, %arg20: memref<!tpu.dma_semaphore, #tpu.memory_space<semaphore_mem>>, %arg21: memref<!tpu.dma_semaphore, #tpu.memory_space<semaphore_mem>>, %arg22: memref<!tpu.dma_semaphore, #tpu.memory_space<semaphore_mem>>, %arg23: memref<!tpu.dma_semaphore, #tpu.memory_space<semaphore_mem>>) attributes {dimension_semantics = [#tpu.dimension_semantics<core_parallel>, #tpu.dimension_semantics<subcore_parallel>], iteration_bounds = array<i64: 2, 16>, scalar_prefetch = 0 : i64, scratch_operands = 18 : i64, tpu.core_type = #tpu.core_type<sc_vector_subcore>, window_params = [{transform_indices = #map}, {transform_indices = #map1}, {transform_indices = #map1}, {transform_indices = #map2}]} {
    %mul3A = arith.constant 2 : i32
    %mul3A_0 = arith.muli %arg1, %mul3A : i32
    %add3A = arith.addi %mul3A_0, %arg0 : i32
    %mul3A_1 = arith.constant 640 : i32
    %mul3A_2 = arith.muli %add3A, %mul3A_1 : i32
    %mul3A_3 = arith.constant 32 : i32
    %mul3A_4 = arith.muli %add3A, %mul3A_3 : i32
    "tpu.region"() ({
      %run_scoped3A = tpu.sem_alloc : memref<!tpu.dma_semaphore, #tpu.memory_space<semaphore_mem>>
      %dma_start3A_50 = tpu.memref_slice %arg2[%mul3A_2] : memref<20480xi32, #tpu.memory_space<hbm>> -> memref<640xi32, #tpu.memory_space<hbm>>
      %dma_start3A_51 = tpu.memref_slice %arg2[%mul3A_2] : memref<20480xi32, #tpu.memory_space<hbm>> -> memref<640xi32, #tpu.memory_space<hbm>>
      tpu.enqueue_dma source(%dma_start3A_51 : memref<640xi32, #tpu.memory_space<hbm>>) target(%arg6 : memref<640xi32, #tpu.memory_space<vmem>>) target_semaphore(%run_scoped3A : memref<!tpu.dma_semaphore, #tpu.memory_space<semaphore_mem>>)
      %dma_wait3A_52 = tpu.memref_slice %arg2[%mul3A_2] : memref<20480xi32, #tpu.memory_space<hbm>> -> memref<640xi32, #tpu.memory_space<hbm>>
      %dma_wait3A_53 = tpu.memref_slice %arg2[%mul3A_2] : memref<20480xi32, #tpu.memory_space<hbm>> -> memref<640xi32, #tpu.memory_space<hbm>>
      tpu.wait_dma2 semaphore(%run_scoped3A : memref<!tpu.dma_semaphore, #tpu.memory_space<semaphore_mem>>) src(%dma_wait3A_53 : memref<640xi32, #tpu.memory_space<hbm>>) dst(%arg6 : memref<640xi32, #tpu.memory_space<vmem>>)
      tpu.yield
    }) : () -> ()
    "tpu.region"() ({
      %run_scoped3A = tpu.sem_alloc : memref<!tpu.dma_semaphore, #tpu.memory_space<semaphore_mem>>
      tpu.enqueue_dma source(%arg4 : memref<3x4096xf32, #tpu.memory_space<hbm>>) target(%arg8 : memref<3x4096xf32, #tpu.memory_space<vmem>>) target_semaphore(%run_scoped3A : memref<!tpu.dma_semaphore, #tpu.memory_space<semaphore_mem>>)
      tpu.wait_dma2 semaphore(%run_scoped3A : memref<!tpu.dma_semaphore, #tpu.memory_space<semaphore_mem>>) src(%arg4 : memref<3x4096xf32, #tpu.memory_space<hbm>>) dst(%arg8 : memref<3x4096xf32, #tpu.memory_space<vmem>>)
      tpu.yield
    }) : () -> ()
    %iota3A = tpu.iota {dimensions = array<i32: 0>} : vector<16xi32>
    %scan3A = arith.constant 0 : i32
    %scan3A_5 = arith.constant 0 : i32
    %scan3A_6 = arith.constant 81 : i32
    %scan3A_7 = arith.addi %scan3A_5, %scan3A_6 : i32
    %scan3A_8 = arith.constant 1 : i32
    scf.for %scan3A_50 = %scan3A_5 to %scan3A_7 step %scan3A_8  : i32 {
      %broadcast_in_dim3A = arith.constant 0 : i32
      %broadcast_in_dim3A_51 = vector.broadcast %broadcast_in_dim3A : i32 to vector<16xi32>
      %mul3A_52 = arith.constant 16 : i32
      %mul3A_53 = arith.muli %scan3A_50, %mul3A_52 : i32
      %swap3A = arith.index_cast %mul3A_53 : i32 to index
      %swap3A_54 = tpu.vector_load %arg7[%swap3A] {strides = array<i32>} : memref<1296xi32, #tpu.memory_space<vmem>>, vector<16xi32>,
      tpu.vector_store %arg7[%swap3A], %broadcast_in_dim3A_51 {strides = array<i32>} : memref<1296xi32, #tpu.memory_space<vmem>>, vector<16xi32>,
    }
    %scan3A_9 = arith.constant 81 : i32
    %scan3A_10 = arith.constant 0 : i32
    %scan3A_11 = arith.constant 0 : i32
    %scan3A_12 = arith.constant 40 : i32
    %scan3A_13 = arith.addi %scan3A_11, %scan3A_12 : i32
    %scan3A_14 = arith.constant 1 : i32
    scf.for %scan3A_50 = %scan3A_11 to %scan3A_13 step %scan3A_14  : i32 {
      %mul3A_51 = arith.constant 16 : i32
      %mul3A_52 = arith.muli %scan3A_50, %mul3A_51 : i32
      %add3A_53 = vector.broadcast %mul3A_52 : i32 to vector<16xi32>
      %add3A_54 = arith.addi %add3A_53, %iota3A : vector<16xi32>
      %jit3A = arith.constant 20 : i32
      %eq3A = arith.constant 0 : i32
      %eq3A_55 = arith.cmpi eq, %jit3A, %eq3A : i32
      %jit3A_56 = arith.constant 1 : i32
      %select_n3A = arith.select %eq3A_55, %jit3A_56, %jit3A : i32
      %rem3A = vector.broadcast %select_n3A : i32 to vector<16xi32>
      %rem3A_57 = arith.remsi %add3A_54, %rem3A : vector<16xi32>
      %ne3A = arith.constant 0 : i32
      %ne3A_58 = vector.broadcast %ne3A : i32 to vector<16xi32>
      %ne3A_59 = arith.cmpi ne, %rem3A_57, %ne3A_58 : vector<16xi32>
      %lt3A = arith.constant 0 : i32
      %lt3A_60 = vector.broadcast %lt3A : i32 to vector<16xi32>
      %lt3A_61 = arith.cmpi slt, %rem3A_57, %lt3A_60 : vector<16xi32>
      %lt3A_62 = arith.constant 0 : i32
      %lt3A_63 = arith.cmpi slt, %select_n3A, %lt3A_62 : i32
      %ne3A_64 = vector.broadcast %lt3A_63 : i1 to vector<16xi1>
      %ne3A_65 = vector.broadcast %ne3A_64 : vector<16xi1> to vector<16xi1>
      %ne3A_66 = arith.xori %lt3A_61, %ne3A_65 : vector<16xi1>
      %and3A = arith.andi %ne3A_66, %ne3A_59 : vector<16xi1>
      %add3A_67 = vector.broadcast %select_n3A : i32 to vector<16xi32>
      %add3A_68 = arith.addi %rem3A_57, %add3A_67 : vector<16xi32>
      %select_n3A_69 = arith.select %and3A, %add3A_68, %rem3A_57 : vector<16xi1>, vector<16xi32>
      %jit3A_70 = arith.constant 20 : i32
      %div3A = vector.broadcast %jit3A_70 : i32 to vector<16xi32>
      %div3A_71 = arith.divsi %add3A_54, %div3A : vector<16xi32>
      %sign3A = arith.constant 0 : i32
      %sign3A_72 = vector.broadcast %sign3A : i32 to vector<16xi32>
      %sign3A_73 = arith.cmpi sgt, %add3A_54, %sign3A_72 : vector<16xi32>
      %sign3A_74 = arith.extui %sign3A_73 : vector<16xi1> to vector<16xi32>
      %sign3A_75 = arith.constant 0 : i32
      %sign3A_76 = vector.broadcast %sign3A_75 : i32 to vector<16xi32>
      %sign3A_77 = arith.cmpi slt, %add3A_54, %sign3A_76 : vector<16xi32>
      %sign3A_78 = arith.extui %sign3A_77 : vector<16xi1> to vector<16xi32>
      %sign3A_79 = arith.subi %sign3A_74, %sign3A_78 : vector<16xi32>
      %sign3A_80 = arith.constant 0 : i32
      %sign3A_81 = arith.cmpi sgt, %jit3A_70, %sign3A_80 : i32
      %sign3A_82 = arith.extui %sign3A_81 : i1 to i32
      %sign3A_83 = arith.constant 0 : i32
      %sign3A_84 = arith.cmpi slt, %jit3A_70, %sign3A_83 : i32
      %sign3A_85 = arith.extui %sign3A_84 : i1 to i32
      %sign3A_86 = arith.subi %sign3A_82, %sign3A_85 : i32
      %ne3A_87 = vector.broadcast %sign3A_86 : i32 to vector<16xi32>
      %ne3A_88 = arith.cmpi ne, %sign3A_79, %ne3A_87 : vector<16xi32>
      %rem3A_89 = vector.broadcast %jit3A_70 : i32 to vector<16xi32>
      %rem3A_90 = arith.remsi %add3A_54, %rem3A_89 : vector<16xi32>
      %ne3A_91 = arith.constant 0 : i32
      %ne3A_92 = vector.broadcast %ne3A_91 : i32 to vector<16xi32>
      %ne3A_93 = arith.cmpi ne, %rem3A_90, %ne3A_92 : vector<16xi32>
      %and3A_94 = arith.andi %ne3A_88, %ne3A_93 : vector<16xi1>
      %sub3A = arith.constant 1 : i32
      %sub3A_95 = vector.broadcast %sub3A : i32 to vector<16xi32>
      %sub3A_96 = arith.subi %div3A_71, %sub3A_95 : vector<16xi32>
      %select_n3A_97 = arith.select %and3A_94, %sub3A_96, %div3A_71 : vector<16xi1>, vector<16xi32>
      %mul3A_98 = arith.constant 40 : i32
      %mul3A_99 = vector.broadcast %mul3A_98 : i32 to vector<16xi32>
      %mul3A_100 = arith.muli %select_n3A_97, %mul3A_99 : vector<16xi32>
      %jit3A_101 = arith.constant 4 : i32
      %div3A_102 = vector.broadcast %jit3A_101 : i32 to vector<16xi32>
      %div3A_103 = arith.divsi %select_n3A_69, %div3A_102 : vector<16xi32>
      %sign3A_104 = arith.constant 0 : i32
      %sign3A_105 = vector.broadcast %sign3A_104 : i32 to vector<16xi32>
      %sign3A_106 = arith.cmpi sgt, %select_n3A_69, %sign3A_105 : vector<16xi32>
      %sign3A_107 = arith.extui %sign3A_106 : vector<16xi1> to vector<16xi32>
      %sign3A_108 = arith.constant 0 : i32
      %sign3A_109 = vector.broadcast %sign3A_108 : i32 to vector<16xi32>
      %sign3A_110 = arith.cmpi slt, %select_n3A_69, %sign3A_109 : vector<16xi32>
      %sign3A_111 = arith.extui %sign3A_110 : vector<16xi1> to vector<16xi32>
      %sign3A_112 = arith.subi %sign3A_107, %sign3A_111 : vector<16xi32>
      %sign3A_113 = arith.constant 0 : i32
      %sign3A_114 = arith.cmpi sgt, %jit3A_101, %sign3A_113 : i32
      %sign3A_115 = arith.extui %sign3A_114 : i1 to i32
      %sign3A_116 = arith.constant 0 : i32
      %sign3A_117 = arith.cmpi slt, %jit3A_101, %sign3A_116 : i32
      %sign3A_118 = arith.extui %sign3A_117 : i1 to i32
      %sign3A_119 = arith.subi %sign3A_115, %sign3A_118 : i32
      %ne3A_120 = vector.broadcast %sign3A_119 : i32 to vector<16xi32>
      %ne3A_121 = arith.cmpi ne, %sign3A_112, %ne3A_120 : vector<16xi32>
      %rem3A_122 = vector.broadcast %jit3A_101 : i32 to vector<16xi32>
      %rem3A_123 = arith.remsi %select_n3A_69, %rem3A_122 : vector<16xi32>
      %ne3A_124 = arith.constant 0 : i32
      %ne3A_125 = vector.broadcast %ne3A_124 : i32 to vector<16xi32>
      %ne3A_126 = arith.cmpi ne, %rem3A_123, %ne3A_125 : vector<16xi32>
      %and3A_127 = arith.andi %ne3A_121, %ne3A_126 : vector<16xi1>
      %sub3A_128 = arith.constant 1 : i32
      %sub3A_129 = vector.broadcast %sub3A_128 : i32 to vector<16xi32>
      %sub3A_130 = arith.subi %div3A_103, %sub3A_129 : vector<16xi32>
      %select_n3A_131 = arith.select %and3A_127, %sub3A_130, %div3A_103 : vector<16xi1>, vector<16xi32>
      %mul3A_132 = arith.constant 8 : i32
      %mul3A_133 = vector.broadcast %mul3A_132 : i32 to vector<16xi32>
      %mul3A_134 = arith.muli %select_n3A_131, %mul3A_133 : vector<16xi32>
      %add3A_135 = arith.addi %mul3A_100, %mul3A_134 : vector<16xi32>
      %jit3A_136 = arith.constant 4 : i32
      %eq3A_137 = arith.constant 0 : i32
      %eq3A_138 = arith.cmpi eq, %jit3A_136, %eq3A_137 : i32
      %jit3A_139 = arith.constant 1 : i32
      %select_n3A_140 = arith.select %eq3A_138, %jit3A_139, %jit3A_136 : i32
      %rem3A_141 = vector.broadcast %select_n3A_140 : i32 to vector<16xi32>
      %rem3A_142 = arith.remsi %select_n3A_69, %rem3A_141 : vector<16xi32>
      %ne3A_143 = arith.constant 0 : i32
      %ne3A_144 = vector.broadcast %ne3A_143 : i32 to vector<16xi32>
      %ne3A_145 = arith.cmpi ne, %rem3A_142, %ne3A_144 : vector<16xi32>
      %lt3A_146 = arith.constant 0 : i32
      %lt3A_147 = vector.broadcast %lt3A_146 : i32 to vector<16xi32>
      %lt3A_148 = arith.cmpi slt, %rem3A_142, %lt3A_147 : vector<16xi32>
      %lt3A_149 = arith.constant 0 : i32
      %lt3A_150 = arith.cmpi slt, %select_n3A_140, %lt3A_149 : i32
      %ne3A_151 = vector.broadcast %lt3A_150 : i1 to vector<16xi1>
      %ne3A_152 = vector.broadcast %ne3A_151 : vector<16xi1> to vector<16xi1>
      %ne3A_153 = arith.xori %lt3A_148, %ne3A_152 : vector<16xi1>
      %and3A_154 = arith.andi %ne3A_153, %ne3A_145 : vector<16xi1>
      %add3A_155 = vector.broadcast %select_n3A_140 : i32 to vector<16xi32>
      %add3A_156 = arith.addi %rem3A_142, %add3A_155 : vector<16xi32>
      %select_n3A_157 = arith.select %and3A_154, %add3A_156, %rem3A_142 : vector<16xi1>, vector<16xi32>
      %add3A_158 = arith.addi %add3A_135, %select_n3A_157 : vector<16xi32>
      %mul3A_159 = arith.constant 16 : i32
      %mul3A_160 = arith.muli %scan3A_50, %mul3A_159 : i32
      %get3A = arith.index_cast %mul3A_160 : i32 to index
      %get3A_161 = tpu.vector_load %arg6[%get3A] {strides = array<i32>} : memref<640xi32, #tpu.memory_space<vmem>>, vector<16xi32>,
      tpu.vector_store_idx %arg7[%add3A_158], %get3A_161 : memref<1296xi32, #tpu.memory_space<vmem>>[vector<16xi32>], vector<16xi32>,
    }
    %scan3A_15 = arith.constant 40 : i32
    %dma_start3A = arith.constant 0 : i32
    %dma_start3A_16 = tpu.memref_slice %arg7[%dma_start3A] : memref<1296xi32, #tpu.memory_space<vmem>> -> memref<4xi32, #tpu.memory_space<vmem>>
    %dma_start3A_17 = arith.constant 0 : i32
    %dma_start3A_18 = arith.constant 0 : i32
    %dma_start3A_19 = tpu.memref_slice %arg3[%dma_start3A_17, %dma_start3A_18] : memref<100003x4096xf32, #tpu.memory_space<hbm>> -> memref<100003x4096xf32, #tpu.memory_space<hbm>>
    tpu.enqueue_indirect_dma source(%dma_start3A_19 : memref<100003x4096xf32, #tpu.memory_space<hbm>>) target(%arg9 : memref<4x4096xf32, #tpu.memory_space<vmem>>) offsets(%dma_start3A_16 : memref<4xi32, #tpu.memory_space<vmem>>) semaphore(%arg14 : memref<!tpu.dma_semaphore, #tpu.memory_space<semaphore_mem>>)
    %dma_start3A_20 = arith.constant 8 : i32
    %dma_start3A_21 = tpu.memref_slice %arg7[%dma_start3A_20] : memref<1296xi32, #tpu.memory_space<vmem>> -> memref<4xi32, #tpu.memory_space<vmem>>
    %dma_start3A_22 = arith.constant 0 : i32
    %dma_start3A_23 = arith.constant 0 : i32
    %dma_start3A_24 = tpu.memref_slice %arg3[%dma_start3A_22, %dma_start3A_23] : memref<100003x4096xf32, #tpu.memory_space<hbm>> -> memref<100003x4096xf32, #tpu.memory_space<hbm>>
    tpu.enqueue_indirect_dma source(%dma_start3A_24 : memref<100003x4096xf32, #tpu.memory_space<hbm>>) target(%arg10 : memref<4x4096xf32, #tpu.memory_space<vmem>>) offsets(%dma_start3A_21 : memref<4xi32, #tpu.memory_space<vmem>>) semaphore(%arg15 : memref<!tpu.dma_semaphore, #tpu.memory_space<semaphore_mem>>)
    %dma_start3A_25 = arith.constant 16 : i32
    %dma_start3A_26 = tpu.memref_slice %arg7[%dma_start3A_25] : memref<1296xi32, #tpu.memory_space<vmem>> -> memref<4xi32, #tpu.memory_space<vmem>>
    %dma_start3A_27 = arith.constant 0 : i32
    %dma_start3A_28 = arith.constant 0 : i32
    %dma_start3A_29 = tpu.memref_slice %arg3[%dma_start3A_27, %dma_start3A_28] : memref<100003x4096xf32, #tpu.memory_space<hbm>> -> memref<100003x4096xf32, #tpu.memory_space<hbm>>
    tpu.enqueue_indirect_dma source(%dma_start3A_29 : memref<100003x4096xf32, #tpu.memory_space<hbm>>) target(%arg11 : memref<4x4096xf32, #tpu.memory_space<vmem>>) offsets(%dma_start3A_26 : memref<4xi32, #tpu.memory_space<vmem>>) semaphore(%arg16 : memref<!tpu.dma_semaphore, #tpu.memory_space<semaphore_mem>>)
    %dma_start3A_30 = arith.constant 24 : i32
    %dma_start3A_31 = tpu.memref_slice %arg7[%dma_start3A_30] : memref<1296xi32, #tpu.memory_space<vmem>> -> memref<4xi32, #tpu.memory_space<vmem>>
    %dma_start3A_32 = arith.constant 0 : i32
    %dma_start3A_33 = arith.constant 0 : i32
    %dma_start3A_34 = tpu.memref_slice %arg3[%dma_start3A_32, %dma_start3A_33] : memref<100003x4096xf32, #tpu.memory_space<hbm>> -> memref<100003x4096xf32, #tpu.memory_space<hbm>>
    tpu.enqueue_indirect_dma source(%dma_start3A_34 : memref<100003x4096xf32, #tpu.memory_space<hbm>>) target(%arg12 : memref<4x4096xf32, #tpu.memory_space<vmem>>) offsets(%dma_start3A_31 : memref<4xi32, #tpu.memory_space<vmem>>) semaphore(%arg17 : memref<!tpu.dma_semaphore, #tpu.memory_space<semaphore_mem>>)
    %scan3A_35 = arith.constant 0 : i32
    %scan3A_36 = arith.constant 0 : i32
    %scan3A_37 = arith.constant 32 : i32
    %scan3A_38 = arith.addi %scan3A_36, %scan3A_37 : i32
    %scan3A_39 = arith.constant 1 : i32
    scf.for %scan3A_50 = %scan3A_36 to %scan3A_38 step %scan3A_39  : i32 {
      %mul3A_51 = arith.constant 40 : i32
      %mul3A_52 = arith.muli %scan3A_50, %mul3A_51 : i32
      %add3A_53 = arith.constant 0 : i32
      %add3A_54 = arith.addi %mul3A_52, %add3A_53 : i32
      %dma_wait3A_55 = tpu.memref_slice %arg7[%add3A_54] : memref<1296xi32, #tpu.memory_space<vmem>> -> memref<4xi32, #tpu.memory_space<vmem>>
      %dma_wait3A_56 = arith.constant 0 : i32
      %dma_wait3A_57 = arith.constant 0 : i32
      %dma_wait3A_58 = tpu.memref_slice %arg3[%dma_wait3A_56, %dma_wait3A_57] : memref<100003x4096xf32, #tpu.memory_space<hbm>> -> memref<100003x4096xf32, #tpu.memory_space<hbm>>
      tpu.wait_indirect_dma semaphore(%arg14 : memref<!tpu.dma_semaphore, #tpu.memory_space<semaphore_mem>>) src(%dma_wait3A_58 : memref<100003x4096xf32, #tpu.memory_space<hbm>>) dst(%arg9 : memref<4x4096xf32, #tpu.memory_space<vmem>>)
      %mul3A_59 = arith.constant 40 : i32
      %mul3A_60 = arith.muli %scan3A_50, %mul3A_59 : i32
      %add3A_61 = arith.constant 0 : i32
      %add3A_62 = arith.addi %mul3A_60, %add3A_61 : i32
      %get3A = arith.index_cast %add3A_62 : i32 to index
      %get3A_63 = tpu.vector_load %arg7[%get3A] {strides = array<i32>} : memref<1296xi32, #tpu.memory_space<vmem>>, vector<16xi32>,
      %ge3A = arith.constant 100000 : i32
      %ge3A_64 = vector.broadcast %ge3A : i32 to vector<16xi32>
      %ge3A_65 = arith.cmpi sge, %get3A_63, %ge3A_64 : vector<16xi32>
      %lt3A = arith.constant 4 : i32
      %lt3A_66 = vector.broadcast %lt3A : i32 to vector<16xi32>
      %lt3A_67 = arith.cmpi slt, %iota3A, %lt3A_66 : vector<16xi32>
      %and3A = arith.andi %ge3A_65, %lt3A_67 : vector<16xi1>
      %convert_element_type3A = arith.extui %and3A : vector<16xi1> to vector<16xi32>
      %reduce_max3A = arith.constant true
      %reduce_max3A_68 = vector.broadcast %reduce_max3A : i1 to vector<16xi1>
      %reduce_max3A_69 = arith.constant -2147483648 : i32
      %reduce_max3A_70 = vector.broadcast %reduce_max3A_69 : i32 to vector<16xi32>
      %reduce_max3A_71 = arith.xori %convert_element_type3A, %reduce_max3A_70 : vector<16xi32>
      %reduce_max3A_72 = tpu.scan <max>, %reduce_max3A_71 masked %reduce_max3A_68 : vector<16xi32>, vector<16xi1> -> vector<16xi32>
      %reduce_max3A_73 = arith.xori %reduce_max3A_72, %reduce_max3A_70 : vector<16xi32>
      %reduce_max3A_74 = vector.extract %reduce_max3A_73[15] : i32 from vector<16xi32>
      %gt3A = arith.constant 0 : i32
      %gt3A_75 = arith.cmpi sgt, %reduce_max3A_74, %gt3A : i32
      %convert_element_type3A_76 = arith.extui %gt3A_75 : i1 to i32
      %cond3A = arith.constant 0 : i32
      %cond3A_77 = arith.cmpi ne, %convert_element_type3A_76, %cond3A : i32
      scf.if %cond3A_77 {
        %sub3A_333 = arith.constant 100000 : i32
        %sub3A_334 = vector.broadcast %sub3A_333 : i32 to vector<16xi32>
        %sub3A_335 = arith.subi %get3A_63, %sub3A_334 : vector<16xi32>
        %jit3A = arith.constant 0 : i32
        %jit3A_336 = arith.constant 2 : i32
        %max3A = vector.broadcast %jit3A : i32 to vector<16xi32>
        %max3A_337 = arith.maxsi %max3A, %sub3A_335 : vector<16xi32>
        %min3A = vector.broadcast %jit3A_336 : i32 to vector<16xi32>
        %min3A_338 = arith.minsi %min3A, %max3A_337 : vector<16xi32>
        %scan3A_339 = arith.constant 0 : i32
        %scan3A_340 = arith.constant 0 : i32
        %scan3A_341 = arith.constant 4096 : i32
        %scan3A_342 = arith.addi %scan3A_340, %scan3A_341 : i32
        %scan3A_343 = arith.constant 1 : i32
        scf.for %scan3A_345 = %scan3A_340 to %scan3A_342 step %scan3A_343  : i32 {
          %broadcast_in_dim3A = arith.constant 0 : i32
          %broadcast_in_dim3A_346 = vector.broadcast %broadcast_in_dim3A : i32 to vector<16xi32>
          %add3A_347 = vector.broadcast %scan3A_345 : i32 to vector<16xi32>
          %add3A_348 = arith.addi %broadcast_in_dim3A_346, %add3A_347 : vector<16xi32>
          %gather3A = tpu.vector_load_idx %arg8[%min3A_338, %add3A_348] masked %and3A : memref<3x4096xf32, #tpu.memory_space<vmem>>[vector<16xi32>, vector<16xi32>], vector<16xf32>, vector<16xi1>
          tpu.vector_store_idx %arg9[%iota3A, %add3A_348], %gather3A masked %and3A : memref<4x4096xf32, #tpu.memory_space<vmem>>[vector<16xi32>, vector<16xi32>], vector<16xf32>, vector<16xi1>
        }
        %scan3A_344 = arith.constant 4096 : i32
      } else {
      }
      %add3A_78 = arith.addi %mul3A_4, %scan3A_50 : i32
      %dma_start3A_79 = arith.constant 0 : i32
      %dma_start3A_80 = arith.constant 0 : i32
      %dma_start3A_81 = tpu.memref_slice %arg5[%add3A_78, %dma_start3A_79, %dma_start3A_80] : memref<1024x20x4096xf32, #tpu.memory_space<hbm>> -> memref<1x4x4096xf32, #tpu.memory_space<hbm>>
      %dma_start3A_82 = tpu.memref_squeeze %dma_start3A_81 : memref<1x4x4096xf32, #tpu.memory_space<hbm>> -> memref<4x4096xf32, #tpu.memory_space<hbm>>
      %dma_start3A_83 = arith.constant 0 : i32
      %dma_start3A_84 = arith.constant 0 : i32
      %dma_start3A_85 = tpu.memref_slice %arg5[%add3A_78, %dma_start3A_83, %dma_start3A_84] : memref<1024x20x4096xf32, #tpu.memory_space<hbm>> -> memref<1x4x4096xf32, #tpu.memory_space<hbm>>
      %dma_start3A_86 = tpu.memref_squeeze %dma_start3A_85 : memref<1x4x4096xf32, #tpu.memory_space<hbm>> -> memref<4x4096xf32, #tpu.memory_space<hbm>>
      tpu.enqueue_dma source(%arg9 : memref<4x4096xf32, #tpu.memory_space<vmem>>) target(%dma_start3A_86 : memref<4x4096xf32, #tpu.memory_space<hbm>>) target_semaphore(%arg19 : memref<!tpu.dma_semaphore, #tpu.memory_space<semaphore_mem>>)
      %sub3A = arith.constant 1 : i32
      %sub3A_87 = arith.subi %scan3A_50, %sub3A : i32
      %gt3A_88 = arith.constant 0 : i32
      %gt3A_89 = arith.cmpi sgt, %scan3A_50, %gt3A_88 : i32
      %convert_element_type3A_90 = arith.extui %gt3A_89 : i1 to i32
      %cond3A_91 = arith.constant 0 : i32
      %cond3A_92 = arith.cmpi ne, %convert_element_type3A_90, %cond3A_91 : i32
      scf.if %cond3A_92 {
        %add3A_333 = arith.addi %mul3A_4, %sub3A_87 : i32
        %dma_wait3A_334 = arith.constant 16 : i32
        %dma_wait3A_335 = arith.constant 0 : i32
        %dma_wait3A_336 = tpu.memref_slice %arg5[%add3A_333, %dma_wait3A_334, %dma_wait3A_335] : memref<1024x20x4096xf32, #tpu.memory_space<hbm>> -> memref<1x4x4096xf32, #tpu.memory_space<hbm>>
        %dma_wait3A_337 = tpu.memref_squeeze %dma_wait3A_336 : memref<1x4x4096xf32, #tpu.memory_space<hbm>> -> memref<4x4096xf32, #tpu.memory_space<hbm>>
        %dma_wait3A_338 = arith.constant 16 : i32
        %dma_wait3A_339 = arith.constant 0 : i32
        %dma_wait3A_340 = tpu.memref_slice %arg5[%add3A_333, %dma_wait3A_338, %dma_wait3A_339] : memref<1024x20x4096xf32, #tpu.memory_space<hbm>> -> memref<1x4x4096xf32, #tpu.memory_space<hbm>>
        %dma_wait3A_341 = tpu.memref_squeeze %dma_wait3A_340 : memref<1x4x4096xf32, #tpu.memory_space<hbm>> -> memref<4x4096xf32, #tpu.memory_space<hbm>>
        tpu.wait_dma2 semaphore(%arg23 : memref<!tpu.dma_semaphore, #tpu.memory_space<semaphore_mem>>) src(%arg13 : memref<4x4096xf32, #tpu.memory_space<vmem>>) dst(%dma_wait3A_341 : memref<4x4096xf32, #tpu.memory_space<hbm>>)
      } else {
      }
      %mul3A_93 = arith.constant 40 : i32
      %mul3A_94 = arith.muli %scan3A_50, %mul3A_93 : i32
      %add3A_95 = arith.constant 32 : i32
      %add3A_96 = arith.addi %mul3A_94, %add3A_95 : i32
      %dma_start3A_97 = tpu.memref_slice %arg7[%add3A_96] : memref<1296xi32, #tpu.memory_space<vmem>> -> memref<4xi32, #tpu.memory_space<vmem>>
      %dma_start3A_98 = arith.constant 0 : i32
      %dma_start3A_99 = arith.constant 0 : i32
      %dma_start3A_100 = tpu.memref_slice %arg3[%dma_start3A_98, %dma_start3A_99] : memref<100003x4096xf32, #tpu.memory_space<hbm>> -> memref<100003x4096xf32, #tpu.memory_space<hbm>>
      tpu.enqueue_indirect_dma source(%dma_start3A_100 : memref<100003x4096xf32, #tpu.memory_space<hbm>>) target(%arg13 : memref<4x4096xf32, #tpu.memory_space<vmem>>) offsets(%dma_start3A_97 : memref<4xi32, #tpu.memory_space<vmem>>) semaphore(%arg18 : memref<!tpu.dma_semaphore, #tpu.memory_space<semaphore_mem>>)
      %mul3A_101 = arith.constant 40 : i32
      %mul3A_102 = arith.muli %scan3A_50, %mul3A_101 : i32
      %add3A_103 = arith.constant 8 : i32
      %add3A_104 = arith.addi %mul3A_102, %add3A_103 : i32
      %dma_wait3A_105 = tpu.memref_slice %arg7[%add3A_104] : memref<1296xi32, #tpu.memory_space<vmem>> -> memref<4xi32, #tpu.memory_space<vmem>>
      %dma_wait3A_106 = arith.constant 0 : i32
      %dma_wait3A_107 = arith.constant 0 : i32
      %dma_wait3A_108 = tpu.memref_slice %arg3[%dma_wait3A_106, %dma_wait3A_107] : memref<100003x4096xf32, #tpu.memory_space<hbm>> -> memref<100003x4096xf32, #tpu.memory_space<hbm>>
      tpu.wait_indirect_dma semaphore(%arg15 : memref<!tpu.dma_semaphore, #tpu.memory_space<semaphore_mem>>) src(%dma_wait3A_108 : memref<100003x4096xf32, #tpu.memory_space<hbm>>) dst(%arg10 : memref<4x4096xf32, #tpu.memory_space<vmem>>)
      %mul3A_109 = arith.constant 40 : i32
      %mul3A_110 = arith.muli %scan3A_50, %mul3A_109 : i32
      %add3A_111 = arith.constant 8 : i32
      %add3A_112 = arith.addi %mul3A_110, %add3A_111 : i32
      %get3A_113 = arith.index_cast %add3A_112 : i32 to index
      %get3A_114 = tpu.vector_load %arg7[%get3A_113] {strides = array<i32>} : memref<1296xi32, #tpu.memory_space<vmem>>, vector<16xi32>,
      %ge3A_115 = arith.constant 100000 : i32
      %ge3A_116 = vector.broadcast %ge3A_115 : i32 to vector<16xi32>
      %ge3A_117 = arith.cmpi sge, %get3A_114, %ge3A_116 : vector<16xi32>
      %lt3A_118 = arith.constant 4 : i32
      %lt3A_119 = vector.broadcast %lt3A_118 : i32 to vector<16xi32>
      %lt3A_120 = arith.cmpi slt, %iota3A, %lt3A_119 : vector<16xi32>
      %and3A_121 = arith.andi %ge3A_117, %lt3A_120 : vector<16xi1>
      %convert_element_type3A_122 = arith.extui %and3A_121 : vector<16xi1> to vector<16xi32>
      %reduce_max3A_123 = arith.constant true
      %reduce_max3A_124 = vector.broadcast %reduce_max3A_123 : i1 to vector<16xi1>
      %reduce_max3A_125 = arith.constant -2147483648 : i32
      %reduce_max3A_126 = vector.broadcast %reduce_max3A_125 : i32 to vector<16xi32>
      %reduce_max3A_127 = arith.xori %convert_element_type3A_122, %reduce_max3A_126 : vector<16xi32>
      %reduce_max3A_128 = tpu.scan <max>, %reduce_max3A_127 masked %reduce_max3A_124 : vector<16xi32>, vector<16xi1> -> vector<16xi32>
      %reduce_max3A_129 = arith.xori %reduce_max3A_128, %reduce_max3A_126 : vector<16xi32>
      %reduce_max3A_130 = vector.extract %reduce_max3A_129[15] : i32 from vector<16xi32>
      %gt3A_131 = arith.constant 0 : i32
      %gt3A_132 = arith.cmpi sgt, %reduce_max3A_130, %gt3A_131 : i32
      %convert_element_type3A_133 = arith.extui %gt3A_132 : i1 to i32
      %cond3A_134 = arith.constant 0 : i32
      %cond3A_135 = arith.cmpi ne, %convert_element_type3A_133, %cond3A_134 : i32
      scf.if %cond3A_135 {
        %sub3A_333 = arith.constant 100000 : i32
        %sub3A_334 = vector.broadcast %sub3A_333 : i32 to vector<16xi32>
        %sub3A_335 = arith.subi %get3A_114, %sub3A_334 : vector<16xi32>
        %jit3A = arith.constant 0 : i32
        %jit3A_336 = arith.constant 2 : i32
        %max3A = vector.broadcast %jit3A : i32 to vector<16xi32>
        %max3A_337 = arith.maxsi %max3A, %sub3A_335 : vector<16xi32>
        %min3A = vector.broadcast %jit3A_336 : i32 to vector<16xi32>
        %min3A_338 = arith.minsi %min3A, %max3A_337 : vector<16xi32>
        %scan3A_339 = arith.constant 0 : i32
        %scan3A_340 = arith.constant 0 : i32
        %scan3A_341 = arith.constant 4096 : i32
        %scan3A_342 = arith.addi %scan3A_340, %scan3A_341 : i32
        %scan3A_343 = arith.constant 1 : i32
        scf.for %scan3A_345 = %scan3A_340 to %scan3A_342 step %scan3A_343  : i32 {
          %broadcast_in_dim3A = arith.constant 0 : i32
          %broadcast_in_dim3A_346 = vector.broadcast %broadcast_in_dim3A : i32 to vector<16xi32>
          %add3A_347 = vector.broadcast %scan3A_345 : i32 to vector<16xi32>
          %add3A_348 = arith.addi %broadcast_in_dim3A_346, %add3A_347 : vector<16xi32>
          %gather3A = tpu.vector_load_idx %arg8[%min3A_338, %add3A_348] masked %and3A_121 : memref<3x4096xf32, #tpu.memory_space<vmem>>[vector<16xi32>, vector<16xi32>], vector<16xf32>, vector<16xi1>
          tpu.vector_store_idx %arg10[%iota3A, %add3A_348], %gather3A masked %and3A_121 : memref<4x4096xf32, #tpu.memory_space<vmem>>[vector<16xi32>, vector<16xi32>], vector<16xf32>, vector<16xi1>
        }
        %scan3A_344 = arith.constant 4096 : i32
      } else {
      }
      %add3A_136 = arith.addi %mul3A_4, %scan3A_50 : i32
      %dma_start3A_137 = arith.constant 4 : i32
      %dma_start3A_138 = arith.constant 0 : i32
      %dma_start3A_139 = tpu.memref_slice %arg5[%add3A_136, %dma_start3A_137, %dma_start3A_138] : memref<1024x20x4096xf32, #tpu.memory_space<hbm>> -> memref<1x4x4096xf32, #tpu.memory_space<hbm>>
      %dma_start3A_140 = tpu.memref_squeeze %dma_start3A_139 : memref<1x4x4096xf32, #tpu.memory_space<hbm>> -> memref<4x4096xf32, #tpu.memory_space<hbm>>
      %dma_start3A_141 = arith.constant 4 : i32
      %dma_start3A_142 = arith.constant 0 : i32
      %dma_start3A_143 = tpu.memref_slice %arg5[%add3A_136, %dma_start3A_141, %dma_start3A_142] : memref<1024x20x4096xf32, #tpu.memory_space<hbm>> -> memref<1x4x4096xf32, #tpu.memory_space<hbm>>
      %dma_start3A_144 = tpu.memref_squeeze %dma_start3A_143 : memref<1x4x4096xf32, #tpu.memory_space<hbm>> -> memref<4x4096xf32, #tpu.memory_space<hbm>>
      tpu.enqueue_dma source(%arg10 : memref<4x4096xf32, #tpu.memory_space<vmem>>) target(%dma_start3A_144 : memref<4x4096xf32, #tpu.memory_space<hbm>>) target_semaphore(%arg20 : memref<!tpu.dma_semaphore, #tpu.memory_space<semaphore_mem>>)
      %add3A_145 = arith.addi %mul3A_4, %scan3A_50 : i32
      %dma_wait3A_146 = arith.constant 0 : i32
      %dma_wait3A_147 = arith.constant 0 : i32
      %dma_wait3A_148 = tpu.memref_slice %arg5[%add3A_145, %dma_wait3A_146, %dma_wait3A_147] : memref<1024x20x4096xf32, #tpu.memory_space<hbm>> -> memref<1x4x4096xf32, #tpu.memory_space<hbm>>
      %dma_wait3A_149 = tpu.memref_squeeze %dma_wait3A_148 : memref<1x4x4096xf32, #tpu.memory_space<hbm>> -> memref<4x4096xf32, #tpu.memory_space<hbm>>
      %dma_wait3A_150 = arith.constant 0 : i32
      %dma_wait3A_151 = arith.constant 0 : i32
      %dma_wait3A_152 = tpu.memref_slice %arg5[%add3A_145, %dma_wait3A_150, %dma_wait3A_151] : memref<1024x20x4096xf32, #tpu.memory_space<hbm>> -> memref<1x4x4096xf32, #tpu.memory_space<hbm>>
      %dma_wait3A_153 = tpu.memref_squeeze %dma_wait3A_152 : memref<1x4x4096xf32, #tpu.memory_space<hbm>> -> memref<4x4096xf32, #tpu.memory_space<hbm>>
      tpu.wait_dma2 semaphore(%arg19 : memref<!tpu.dma_semaphore, #tpu.memory_space<semaphore_mem>>) src(%arg9 : memref<4x4096xf32, #tpu.memory_space<vmem>>) dst(%dma_wait3A_153 : memref<4x4096xf32, #tpu.memory_space<hbm>>)
      %lt3A_154 = arith.constant 31 : i32
      %lt3A_155 = arith.cmpi slt, %scan3A_50, %lt3A_154 : i32
      %convert_element_type3A_156 = arith.extui %lt3A_155 : i1 to i32
      %cond3A_157 = arith.constant 0 : i32
      %cond3A_158 = arith.cmpi ne, %convert_element_type3A_156, %cond3A_157 : i32
      scf.if %cond3A_158 {
        %add3A_333 = arith.constant 1 : i32
        %add3A_334 = arith.addi %scan3A_50, %add3A_333 : i32
        %mul3A_335 = arith.constant 40 : i32
        %mul3A_336 = arith.muli %add3A_334, %mul3A_335 : i32
        %add3A_337 = arith.constant 0 : i32
        %add3A_338 = arith.addi %mul3A_336, %add3A_337 : i32
        %dma_start3A_339 = tpu.memref_slice %arg7[%add3A_338] : memref<1296xi32, #tpu.memory_space<vmem>> -> memref<4xi32, #tpu.memory_space<vmem>>
        %dma_start3A_340 = arith.constant 0 : i32
        %dma_start3A_341 = arith.constant 0 : i32
        %dma_start3A_342 = tpu.memref_slice %arg3[%dma_start3A_340, %dma_start3A_341] : memref<100003x4096xf32, #tpu.memory_space<hbm>> -> memref<100003x4096xf32, #tpu.memory_space<hbm>>
        tpu.enqueue_indirect_dma source(%dma_start3A_342 : memref<100003x4096xf32, #tpu.memory_space<hbm>>) target(%arg9 : memref<4x4096xf32, #tpu.memory_space<vmem>>) offsets(%dma_start3A_339 : memref<4xi32, #tpu.memory_space<vmem>>) semaphore(%arg14 : memref<!tpu.dma_semaphore, #tpu.memory_space<semaphore_mem>>)
      } else {
      }
      %mul3A_159 = arith.constant 40 : i32
      %mul3A_160 = arith.muli %scan3A_50, %mul3A_159 : i32
      %add3A_161 = arith.constant 16 : i32
      %add3A_162 = arith.addi %mul3A_160, %add3A_161 : i32
      %dma_wait3A_163 = tpu.memref_slice %arg7[%add3A_162] : memref<1296xi32, #tpu.memory_space<vmem>> -> memref<4xi32, #tpu.memory_space<vmem>>
      %dma_wait3A_164 = arith.constant 0 : i32
      %dma_wait3A_165 = arith.constant 0 : i32
      %dma_wait3A_166 = tpu.memref_slice %arg3[%dma_wait3A_164, %dma_wait3A_165] : memref<100003x4096xf32, #tpu.memory_space<hbm>> -> memref<100003x4096xf32, #tpu.memory_space<hbm>>
      tpu.wait_indirect_dma semaphore(%arg16 : memref<!tpu.dma_semaphore, #tpu.memory_space<semaphore_mem>>) src(%dma_wait3A_166 : memref<100003x4096xf32, #tpu.memory_space<hbm>>) dst(%arg11 : memref<4x4096xf32, #tpu.memory_space<vmem>>)
      %mul3A_167 = arith.constant 40 : i32
      %mul3A_168 = arith.muli %scan3A_50, %mul3A_167 : i32
      %add3A_169 = arith.constant 16 : i32
      %add3A_170 = arith.addi %mul3A_168, %add3A_169 : i32
      %get3A_171 = arith.index_cast %add3A_170 : i32 to index
      %get3A_172 = tpu.vector_load %arg7[%get3A_171] {strides = array<i32>} : memref<1296xi32, #tpu.memory_space<vmem>>, vector<16xi32>,
      %ge3A_173 = arith.constant 100000 : i32
      %ge3A_174 = vector.broadcast %ge3A_173 : i32 to vector<16xi32>
      %ge3A_175 = arith.cmpi sge, %get3A_172, %ge3A_174 : vector<16xi32>
      %lt3A_176 = arith.constant 4 : i32
      %lt3A_177 = vector.broadcast %lt3A_176 : i32 to vector<16xi32>
      %lt3A_178 = arith.cmpi slt, %iota3A, %lt3A_177 : vector<16xi32>
      %and3A_179 = arith.andi %ge3A_175, %lt3A_178 : vector<16xi1>
      %convert_element_type3A_180 = arith.extui %and3A_179 : vector<16xi1> to vector<16xi32>
      %reduce_max3A_181 = arith.constant true
      %reduce_max3A_182 = vector.broadcast %reduce_max3A_181 : i1 to vector<16xi1>
      %reduce_max3A_183 = arith.constant -2147483648 : i32
      %reduce_max3A_184 = vector.broadcast %reduce_max3A_183 : i32 to vector<16xi32>
      %reduce_max3A_185 = arith.xori %convert_element_type3A_180, %reduce_max3A_184 : vector<16xi32>
      %reduce_max3A_186 = tpu.scan <max>, %reduce_max3A_185 masked %reduce_max3A_182 : vector<16xi32>, vector<16xi1> -> vector<16xi32>
      %reduce_max3A_187 = arith.xori %reduce_max3A_186, %reduce_max3A_184 : vector<16xi32>
      %reduce_max3A_188 = vector.extract %reduce_max3A_187[15] : i32 from vector<16xi32>
      %gt3A_189 = arith.constant 0 : i32
      %gt3A_190 = arith.cmpi sgt, %reduce_max3A_188, %gt3A_189 : i32
      %convert_element_type3A_191 = arith.extui %gt3A_190 : i1 to i32
      %cond3A_192 = arith.constant 0 : i32
      %cond3A_193 = arith.cmpi ne, %convert_element_type3A_191, %cond3A_192 : i32
      scf.if %cond3A_193 {
        %sub3A_333 = arith.constant 100000 : i32
        %sub3A_334 = vector.broadcast %sub3A_333 : i32 to vector<16xi32>
        %sub3A_335 = arith.subi %get3A_172, %sub3A_334 : vector<16xi32>
        %jit3A = arith.constant 0 : i32
        %jit3A_336 = arith.constant 2 : i32
        %max3A = vector.broadcast %jit3A : i32 to vector<16xi32>
        %max3A_337 = arith.maxsi %max3A, %sub3A_335 : vector<16xi32>
        %min3A = vector.broadcast %jit3A_336 : i32 to vector<16xi32>
        %min3A_338 = arith.minsi %min3A, %max3A_337 : vector<16xi32>
        %scan3A_339 = arith.constant 0 : i32
        %scan3A_340 = arith.constant 0 : i32
        %scan3A_341 = arith.constant 4096 : i32
        %scan3A_342 = arith.addi %scan3A_340, %scan3A_341 : i32
        %scan3A_343 = arith.constant 1 : i32
        scf.for %scan3A_345 = %scan3A_340 to %scan3A_342 step %scan3A_343  : i32 {
          %broadcast_in_dim3A = arith.constant 0 : i32
          %broadcast_in_dim3A_346 = vector.broadcast %broadcast_in_dim3A : i32 to vector<16xi32>
          %add3A_347 = vector.broadcast %scan3A_345 : i32 to vector<16xi32>
          %add3A_348 = arith.addi %broadcast_in_dim3A_346, %add3A_347 : vector<16xi32>
          %gather3A = tpu.vector_load_idx %arg8[%min3A_338, %add3A_348] masked %and3A_179 : memref<3x4096xf32, #tpu.memory_space<vmem>>[vector<16xi32>, vector<16xi32>], vector<16xf32>, vector<16xi1>
          tpu.vector_store_idx %arg11[%iota3A, %add3A_348], %gather3A masked %and3A_179 : memref<4x4096xf32, #tpu.memory_space<vmem>>[vector<16xi32>, vector<16xi32>], vector<16xf32>, vector<16xi1>
        }
        %scan3A_344 = arith.constant 4096 : i32
      } else {
      }
      %add3A_194 = arith.addi %mul3A_4, %scan3A_50 : i32
      %dma_start3A_195 = arith.constant 8 : i32
      %dma_start3A_196 = arith.constant 0 : i32
      %dma_start3A_197 = tpu.memref_slice %arg5[%add3A_194, %dma_start3A_195, %dma_start3A_196] : memref<1024x20x4096xf32, #tpu.memory_space<hbm>> -> memref<1x4x4096xf32, #tpu.memory_space<hbm>>
      %dma_start3A_198 = tpu.memref_squeeze %dma_start3A_197 : memref<1x4x4096xf32, #tpu.memory_space<hbm>> -> memref<4x4096xf32, #tpu.memory_space<hbm>>
      %dma_start3A_199 = arith.constant 8 : i32
      %dma_start3A_200 = arith.constant 0 : i32
      %dma_start3A_201 = tpu.memref_slice %arg5[%add3A_194, %dma_start3A_199, %dma_start3A_200] : memref<1024x20x4096xf32, #tpu.memory_space<hbm>> -> memref<1x4x4096xf32, #tpu.memory_space<hbm>>
      %dma_start3A_202 = tpu.memref_squeeze %dma_start3A_201 : memref<1x4x4096xf32, #tpu.memory_space<hbm>> -> memref<4x4096xf32, #tpu.memory_space<hbm>>
      tpu.enqueue_dma source(%arg11 : memref<4x4096xf32, #tpu.memory_space<vmem>>) target(%dma_start3A_202 : memref<4x4096xf32, #tpu.memory_space<hbm>>) target_semaphore(%arg21 : memref<!tpu.dma_semaphore, #tpu.memory_space<semaphore_mem>>)
      %add3A_203 = arith.addi %mul3A_4, %scan3A_50 : i32
      %dma_wait3A_204 = arith.constant 4 : i32
      %dma_wait3A_205 = arith.constant 0 : i32
      %dma_wait3A_206 = tpu.memref_slice %arg5[%add3A_203, %dma_wait3A_204, %dma_wait3A_205] : memref<1024x20x4096xf32, #tpu.memory_space<hbm>> -> memref<1x4x4096xf32, #tpu.memory_space<hbm>>
      %dma_wait3A_207 = tpu.memref_squeeze %dma_wait3A_206 : memref<1x4x4096xf32, #tpu.memory_space<hbm>> -> memref<4x4096xf32, #tpu.memory_space<hbm>>
      %dma_wait3A_208 = arith.constant 4 : i32
      %dma_wait3A_209 = arith.constant 0 : i32
      %dma_wait3A_210 = tpu.memref_slice %arg5[%add3A_203, %dma_wait3A_208, %dma_wait3A_209] : memref<1024x20x4096xf32, #tpu.memory_space<hbm>> -> memref<1x4x4096xf32, #tpu.memory_space<hbm>>
      %dma_wait3A_211 = tpu.memref_squeeze %dma_wait3A_210 : memref<1x4x4096xf32, #tpu.memory_space<hbm>> -> memref<4x4096xf32, #tpu.memory_space<hbm>>
      tpu.wait_dma2 semaphore(%arg20 : memref<!tpu.dma_semaphore, #tpu.memory_space<semaphore_mem>>) src(%arg10 : memref<4x4096xf32, #tpu.memory_space<vmem>>) dst(%dma_wait3A_211 : memref<4x4096xf32, #tpu.memory_space<hbm>>)
      %lt3A_212 = arith.constant 31 : i32
      %lt3A_213 = arith.cmpi slt, %scan3A_50, %lt3A_212 : i32
      %convert_element_type3A_214 = arith.extui %lt3A_213 : i1 to i32
      %cond3A_215 = arith.constant 0 : i32
      %cond3A_216 = arith.cmpi ne, %convert_element_type3A_214, %cond3A_215 : i32
      scf.if %cond3A_216 {
        %add3A_333 = arith.constant 1 : i32
        %add3A_334 = arith.addi %scan3A_50, %add3A_333 : i32
        %mul3A_335 = arith.constant 40 : i32
        %mul3A_336 = arith.muli %add3A_334, %mul3A_335 : i32
        %add3A_337 = arith.constant 8 : i32
        %add3A_338 = arith.addi %mul3A_336, %add3A_337 : i32
        %dma_start3A_339 = tpu.memref_slice %arg7[%add3A_338] : memref<1296xi32, #tpu.memory_space<vmem>> -> memref<4xi32, #tpu.memory_space<vmem>>
        %dma_start3A_340 = arith.constant 0 : i32
        %dma_start3A_341 = arith.constant 0 : i32
        %dma_start3A_342 = tpu.memref_slice %arg3[%dma_start3A_340, %dma_start3A_341] : memref<100003x4096xf32, #tpu.memory_space<hbm>> -> memref<100003x4096xf32, #tpu.memory_space<hbm>>
        tpu.enqueue_indirect_dma source(%dma_start3A_342 : memref<100003x4096xf32, #tpu.memory_space<hbm>>) target(%arg10 : memref<4x4096xf32, #tpu.memory_space<vmem>>) offsets(%dma_start3A_339 : memref<4xi32, #tpu.memory_space<vmem>>) semaphore(%arg15 : memref<!tpu.dma_semaphore, #tpu.memory_space<semaphore_mem>>)
      } else {
      }
      %mul3A_217 = arith.constant 40 : i32
      %mul3A_218 = arith.muli %scan3A_50, %mul3A_217 : i32
      %add3A_219 = arith.constant 24 : i32
      %add3A_220 = arith.addi %mul3A_218, %add3A_219 : i32
      %dma_wait3A_221 = tpu.memref_slice %arg7[%add3A_220] : memref<1296xi32, #tpu.memory_space<vmem>> -> memref<4xi32, #tpu.memory_space<vmem>>
      %dma_wait3A_222 = arith.constant 0 : i32
      %dma_wait3A_223 = arith.constant 0 : i32
      %dma_wait3A_224 = tpu.memref_slice %arg3[%dma_wait3A_222, %dma_wait3A_223] : memref<100003x4096xf32, #tpu.memory_space<hbm>> -> memref<100003x4096xf32, #tpu.memory_space<hbm>>
      tpu.wait_indirect_dma semaphore(%arg17 : memref<!tpu.dma_semaphore, #tpu.memory_space<semaphore_mem>>) src(%dma_wait3A_224 : memref<100003x4096xf32, #tpu.memory_space<hbm>>) dst(%arg12 : memref<4x4096xf32, #tpu.memory_space<vmem>>)
      %mul3A_225 = arith.constant 40 : i32
      %mul3A_226 = arith.muli %scan3A_50, %mul3A_225 : i32
      %add3A_227 = arith.constant 24 : i32
      %add3A_228 = arith.addi %mul3A_226, %add3A_227 : i32
      %get3A_229 = arith.index_cast %add3A_228 : i32 to index
      %get3A_230 = tpu.vector_load %arg7[%get3A_229] {strides = array<i32>} : memref<1296xi32, #tpu.memory_space<vmem>>, vector<16xi32>,
      %ge3A_231 = arith.constant 100000 : i32
      %ge3A_232 = vector.broadcast %ge3A_231 : i32 to vector<16xi32>
      %ge3A_233 = arith.cmpi sge, %get3A_230, %ge3A_232 : vector<16xi32>
      %lt3A_234 = arith.constant 4 : i32
      %lt3A_235 = vector.broadcast %lt3A_234 : i32 to vector<16xi32>
      %lt3A_236 = arith.cmpi slt, %iota3A, %lt3A_235 : vector<16xi32>
      %and3A_237 = arith.andi %ge3A_233, %lt3A_236 : vector<16xi1>
      %convert_element_type3A_238 = arith.extui %and3A_237 : vector<16xi1> to vector<16xi32>
      %reduce_max3A_239 = arith.constant true
      %reduce_max3A_240 = vector.broadcast %reduce_max3A_239 : i1 to vector<16xi1>
      %reduce_max3A_241 = arith.constant -2147483648 : i32
      %reduce_max3A_242 = vector.broadcast %reduce_max3A_241 : i32 to vector<16xi32>
      %reduce_max3A_243 = arith.xori %convert_element_type3A_238, %reduce_max3A_242 : vector<16xi32>
      %reduce_max3A_244 = tpu.scan <max>, %reduce_max3A_243 masked %reduce_max3A_240 : vector<16xi32>, vector<16xi1> -> vector<16xi32>
      %reduce_max3A_245 = arith.xori %reduce_max3A_244, %reduce_max3A_242 : vector<16xi32>
      %reduce_max3A_246 = vector.extract %reduce_max3A_245[15] : i32 from vector<16xi32>
      %gt3A_247 = arith.constant 0 : i32
      %gt3A_248 = arith.cmpi sgt, %reduce_max3A_246, %gt3A_247 : i32
      %convert_element_type3A_249 = arith.extui %gt3A_248 : i1 to i32
      %cond3A_250 = arith.constant 0 : i32
      %cond3A_251 = arith.cmpi ne, %convert_element_type3A_249, %cond3A_250 : i32
      scf.if %cond3A_251 {
        %sub3A_333 = arith.constant 100000 : i32
        %sub3A_334 = vector.broadcast %sub3A_333 : i32 to vector<16xi32>
        %sub3A_335 = arith.subi %get3A_230, %sub3A_334 : vector<16xi32>
        %jit3A = arith.constant 0 : i32
        %jit3A_336 = arith.constant 2 : i32
        %max3A = vector.broadcast %jit3A : i32 to vector<16xi32>
        %max3A_337 = arith.maxsi %max3A, %sub3A_335 : vector<16xi32>
        %min3A = vector.broadcast %jit3A_336 : i32 to vector<16xi32>
        %min3A_338 = arith.minsi %min3A, %max3A_337 : vector<16xi32>
        %scan3A_339 = arith.constant 0 : i32
        %scan3A_340 = arith.constant 0 : i32
        %scan3A_341 = arith.constant 4096 : i32
        %scan3A_342 = arith.addi %scan3A_340, %scan3A_341 : i32
        %scan3A_343 = arith.constant 1 : i32
        scf.for %scan3A_345 = %scan3A_340 to %scan3A_342 step %scan3A_343  : i32 {
          %broadcast_in_dim3A = arith.constant 0 : i32
          %broadcast_in_dim3A_346 = vector.broadcast %broadcast_in_dim3A : i32 to vector<16xi32>
          %add3A_347 = vector.broadcast %scan3A_345 : i32 to vector<16xi32>
          %add3A_348 = arith.addi %broadcast_in_dim3A_346, %add3A_347 : vector<16xi32>
          %gather3A = tpu.vector_load_idx %arg8[%min3A_338, %add3A_348] masked %and3A_237 : memref<3x4096xf32, #tpu.memory_space<vmem>>[vector<16xi32>, vector<16xi32>], vector<16xf32>, vector<16xi1>
          tpu.vector_store_idx %arg12[%iota3A, %add3A_348], %gather3A masked %and3A_237 : memref<4x4096xf32, #tpu.memory_space<vmem>>[vector<16xi32>, vector<16xi32>], vector<16xf32>, vector<16xi1>
        }
        %scan3A_344 = arith.constant 4096 : i32
      } else {
      }
      %add3A_252 = arith.addi %mul3A_4, %scan3A_50 : i32
      %dma_start3A_253 = arith.constant 12 : i32
      %dma_start3A_254 = arith.constant 0 : i32
      %dma_start3A_255 = tpu.memref_slice %arg5[%add3A_252, %dma_start3A_253, %dma_start3A_254] : memref<1024x20x4096xf32, #tpu.memory_space<hbm>> -> memref<1x4x4096xf32, #tpu.memory_space<hbm>>
      %dma_start3A_256 = tpu.memref_squeeze %dma_start3A_255 : memref<1x4x4096xf32, #tpu.memory_space<hbm>> -> memref<4x4096xf32, #tpu.memory_space<hbm>>
      %dma_start3A_257 = arith.constant 12 : i32
      %dma_start3A_258 = arith.constant 0 : i32
      %dma_start3A_259 = tpu.memref_slice %arg5[%add3A_252, %dma_start3A_257, %dma_start3A_258] : memref<1024x20x4096xf32, #tpu.memory_space<hbm>> -> memref<1x4x4096xf32, #tpu.memory_space<hbm>>
      %dma_start3A_260 = tpu.memref_squeeze %dma_start3A_259 : memref<1x4x4096xf32, #tpu.memory_space<hbm>> -> memref<4x4096xf32, #tpu.memory_space<hbm>>
      tpu.enqueue_dma source(%arg12 : memref<4x4096xf32, #tpu.memory_space<vmem>>) target(%dma_start3A_260 : memref<4x4096xf32, #tpu.memory_space<hbm>>) target_semaphore(%arg22 : memref<!tpu.dma_semaphore, #tpu.memory_space<semaphore_mem>>)
      %add3A_261 = arith.addi %mul3A_4, %scan3A_50 : i32
      %dma_wait3A_262 = arith.constant 8 : i32
      %dma_wait3A_263 = arith.constant 0 : i32
      %dma_wait3A_264 = tpu.memref_slice %arg5[%add3A_261, %dma_wait3A_262, %dma_wait3A_263] : memref<1024x20x4096xf32, #tpu.memory_space<hbm>> -> memref<1x4x4096xf32, #tpu.memory_space<hbm>>
      %dma_wait3A_265 = tpu.memref_squeeze %dma_wait3A_264 : memref<1x4x4096xf32, #tpu.memory_space<hbm>> -> memref<4x4096xf32, #tpu.memory_space<hbm>>
      %dma_wait3A_266 = arith.constant 8 : i32
      %dma_wait3A_267 = arith.constant 0 : i32
      %dma_wait3A_268 = tpu.memref_slice %arg5[%add3A_261, %dma_wait3A_266, %dma_wait3A_267] : memref<1024x20x4096xf32, #tpu.memory_space<hbm>> -> memref<1x4x4096xf32, #tpu.memory_space<hbm>>
      %dma_wait3A_269 = tpu.memref_squeeze %dma_wait3A_268 : memref<1x4x4096xf32, #tpu.memory_space<hbm>> -> memref<4x4096xf32, #tpu.memory_space<hbm>>
      tpu.wait_dma2 semaphore(%arg21 : memref<!tpu.dma_semaphore, #tpu.memory_space<semaphore_mem>>) src(%arg11 : memref<4x4096xf32, #tpu.memory_space<vmem>>) dst(%dma_wait3A_269 : memref<4x4096xf32, #tpu.memory_space<hbm>>)
      %lt3A_270 = arith.constant 31 : i32
      %lt3A_271 = arith.cmpi slt, %scan3A_50, %lt3A_270 : i32
      %convert_element_type3A_272 = arith.extui %lt3A_271 : i1 to i32
      %cond3A_273 = arith.constant 0 : i32
      %cond3A_274 = arith.cmpi ne, %convert_element_type3A_272, %cond3A_273 : i32
      scf.if %cond3A_274 {
        %add3A_333 = arith.constant 1 : i32
        %add3A_334 = arith.addi %scan3A_50, %add3A_333 : i32
        %mul3A_335 = arith.constant 40 : i32
        %mul3A_336 = arith.muli %add3A_334, %mul3A_335 : i32
        %add3A_337 = arith.constant 16 : i32
        %add3A_338 = arith.addi %mul3A_336, %add3A_337 : i32
        %dma_start3A_339 = tpu.memref_slice %arg7[%add3A_338] : memref<1296xi32, #tpu.memory_space<vmem>> -> memref<4xi32, #tpu.memory_space<vmem>>
        %dma_start3A_340 = arith.constant 0 : i32
        %dma_start3A_341 = arith.constant 0 : i32
        %dma_start3A_342 = tpu.memref_slice %arg3[%dma_start3A_340, %dma_start3A_341] : memref<100003x4096xf32, #tpu.memory_space<hbm>> -> memref<100003x4096xf32, #tpu.memory_space<hbm>>
        tpu.enqueue_indirect_dma source(%dma_start3A_342 : memref<100003x4096xf32, #tpu.memory_space<hbm>>) target(%arg11 : memref<4x4096xf32, #tpu.memory_space<vmem>>) offsets(%dma_start3A_339 : memref<4xi32, #tpu.memory_space<vmem>>) semaphore(%arg16 : memref<!tpu.dma_semaphore, #tpu.memory_space<semaphore_mem>>)
      } else {
      }
      %mul3A_275 = arith.constant 40 : i32
      %mul3A_276 = arith.muli %scan3A_50, %mul3A_275 : i32
      %add3A_277 = arith.constant 32 : i32
      %add3A_278 = arith.addi %mul3A_276, %add3A_277 : i32
      %dma_wait3A_279 = tpu.memref_slice %arg7[%add3A_278] : memref<1296xi32, #tpu.memory_space<vmem>> -> memref<4xi32, #tpu.memory_space<vmem>>
      %dma_wait3A_280 = arith.constant 0 : i32
      %dma_wait3A_281 = arith.constant 0 : i32
      %dma_wait3A_282 = tpu.memref_slice %arg3[%dma_wait3A_280, %dma_wait3A_281] : memref<100003x4096xf32, #tpu.memory_space<hbm>> -> memref<100003x4096xf32, #tpu.memory_space<hbm>>
      tpu.wait_indirect_dma semaphore(%arg18 : memref<!tpu.dma_semaphore, #tpu.memory_space<semaphore_mem>>) src(%dma_wait3A_282 : memref<100003x4096xf32, #tpu.memory_space<hbm>>) dst(%arg13 : memref<4x4096xf32, #tpu.memory_space<vmem>>)
      %mul3A_283 = arith.constant 40 : i32
      %mul3A_284 = arith.muli %scan3A_50, %mul3A_283 : i32
      %add3A_285 = arith.constant 32 : i32
      %add3A_286 = arith.addi %mul3A_284, %add3A_285 : i32
      %get3A_287 = arith.index_cast %add3A_286 : i32 to index
      %get3A_288 = tpu.vector_load %arg7[%get3A_287] {strides = array<i32>} : memref<1296xi32, #tpu.memory_space<vmem>>, vector<16xi32>,
      %ge3A_289 = arith.constant 100000 : i32
      %ge3A_290 = vector.broadcast %ge3A_289 : i32 to vector<16xi32>
      %ge3A_291 = arith.cmpi sge, %get3A_288, %ge3A_290 : vector<16xi32>
      %lt3A_292 = arith.constant 4 : i32
      %lt3A_293 = vector.broadcast %lt3A_292 : i32 to vector<16xi32>
      %lt3A_294 = arith.cmpi slt, %iota3A, %lt3A_293 : vector<16xi32>
      %and3A_295 = arith.andi %ge3A_291, %lt3A_294 : vector<16xi1>
      %convert_element_type3A_296 = arith.extui %and3A_295 : vector<16xi1> to vector<16xi32>
      %reduce_max3A_297 = arith.constant true
      %reduce_max3A_298 = vector.broadcast %reduce_max3A_297 : i1 to vector<16xi1>
      %reduce_max3A_299 = arith.constant -2147483648 : i32
      %reduce_max3A_300 = vector.broadcast %reduce_max3A_299 : i32 to vector<16xi32>
      %reduce_max3A_301 = arith.xori %convert_element_type3A_296, %reduce_max3A_300 : vector<16xi32>
      %reduce_max3A_302 = tpu.scan <max>, %reduce_max3A_301 masked %reduce_max3A_298 : vector<16xi32>, vector<16xi1> -> vector<16xi32>
      %reduce_max3A_303 = arith.xori %reduce_max3A_302, %reduce_max3A_300 : vector<16xi32>
      %reduce_max3A_304 = vector.extract %reduce_max3A_303[15] : i32 from vector<16xi32>
      %gt3A_305 = arith.constant 0 : i32
      %gt3A_306 = arith.cmpi sgt, %reduce_max3A_304, %gt3A_305 : i32
      %convert_element_type3A_307 = arith.extui %gt3A_306 : i1 to i32
      %cond3A_308 = arith.constant 0 : i32
      %cond3A_309 = arith.cmpi ne, %convert_element_type3A_307, %cond3A_308 : i32
      scf.if %cond3A_309 {
        %sub3A_333 = arith.constant 100000 : i32
        %sub3A_334 = vector.broadcast %sub3A_333 : i32 to vector<16xi32>
        %sub3A_335 = arith.subi %get3A_288, %sub3A_334 : vector<16xi32>
        %jit3A = arith.constant 0 : i32
        %jit3A_336 = arith.constant 2 : i32
        %max3A = vector.broadcast %jit3A : i32 to vector<16xi32>
        %max3A_337 = arith.maxsi %max3A, %sub3A_335 : vector<16xi32>
        %min3A = vector.broadcast %jit3A_336 : i32 to vector<16xi32>
        %min3A_338 = arith.minsi %min3A, %max3A_337 : vector<16xi32>
        %scan3A_339 = arith.constant 0 : i32
        %scan3A_340 = arith.constant 0 : i32
        %scan3A_341 = arith.constant 4096 : i32
        %scan3A_342 = arith.addi %scan3A_340, %scan3A_341 : i32
        %scan3A_343 = arith.constant 1 : i32
        scf.for %scan3A_345 = %scan3A_340 to %scan3A_342 step %scan3A_343  : i32 {
          %broadcast_in_dim3A = arith.constant 0 : i32
          %broadcast_in_dim3A_346 = vector.broadcast %broadcast_in_dim3A : i32 to vector<16xi32>
          %add3A_347 = vector.broadcast %scan3A_345 : i32 to vector<16xi32>
          %add3A_348 = arith.addi %broadcast_in_dim3A_346, %add3A_347 : vector<16xi32>
          %gather3A = tpu.vector_load_idx %arg8[%min3A_338, %add3A_348] masked %and3A_295 : memref<3x4096xf32, #tpu.memory_space<vmem>>[vector<16xi32>, vector<16xi32>], vector<16xf32>, vector<16xi1>
          tpu.vector_store_idx %arg13[%iota3A, %add3A_348], %gather3A masked %and3A_295 : memref<4x4096xf32, #tpu.memory_space<vmem>>[vector<16xi32>, vector<16xi32>], vector<16xf32>, vector<16xi1>
        }
        %scan3A_344 = arith.constant 4096 : i32
      } else {
      }
      %add3A_310 = arith.addi %mul3A_4, %scan3A_50 : i32
      %dma_start3A_311 = arith.constant 16 : i32
      %dma_start3A_312 = arith.constant 0 : i32
      %dma_start3A_313 = tpu.memref_slice %arg5[%add3A_310, %dma_start3A_311, %dma_start3A_312] : memref<1024x20x4096xf32, #tpu.memory_space<hbm>> -> memref<1x4x4096xf32, #tpu.memory_space<hbm>>
      %dma_start3A_314 = tpu.memref_squeeze %dma_start3A_313 : memref<1x4x4096xf32, #tpu.memory_space<hbm>> -> memref<4x4096xf32, #tpu.memory_space<hbm>>
      %dma_start3A_315 = arith.constant 16 : i32
      %dma_start3A_316 = arith.constant 0 : i32
      %dma_start3A_317 = tpu.memref_slice %arg5[%add3A_310, %dma_start3A_315, %dma_start3A_316] : memref<1024x20x4096xf32, #tpu.memory_space<hbm>> -> memref<1x4x4096xf32, #tpu.memory_space<hbm>>
      %dma_start3A_318 = tpu.memref_squeeze %dma_start3A_317 : memref<1x4x4096xf32, #tpu.memory_space<hbm>> -> memref<4x4096xf32, #tpu.memory_space<hbm>>
      tpu.enqueue_dma source(%arg13 : memref<4x4096xf32, #tpu.memory_space<vmem>>) target(%dma_start3A_318 : memref<4x4096xf32, #tpu.memory_space<hbm>>) target_semaphore(%arg23 : memref<!tpu.dma_semaphore, #tpu.memory_space<semaphore_mem>>)
      %add3A_319 = arith.addi %mul3A_4, %scan3A_50 : i32
      %dma_wait3A_320 = arith.constant 12 : i32
      %dma_wait3A_321 = arith.constant 0 : i32
      %dma_wait3A_322 = tpu.memref_slice %arg5[%add3A_319, %dma_wait3A_320, %dma_wait3A_321] : memref<1024x20x4096xf32, #tpu.memory_space<hbm>> -> memref<1x4x4096xf32, #tpu.memory_space<hbm>>
      %dma_wait3A_323 = tpu.memref_squeeze %dma_wait3A_322 : memref<1x4x4096xf32, #tpu.memory_space<hbm>> -> memref<4x4096xf32, #tpu.memory_space<hbm>>
      %dma_wait3A_324 = arith.constant 12 : i32
      %dma_wait3A_325 = arith.constant 0 : i32
      %dma_wait3A_326 = tpu.memref_slice %arg5[%add3A_319, %dma_wait3A_324, %dma_wait3A_325] : memref<1024x20x4096xf32, #tpu.memory_space<hbm>> -> memref<1x4x4096xf32, #tpu.memory_space<hbm>>
      %dma_wait3A_327 = tpu.memref_squeeze %dma_wait3A_326 : memref<1x4x4096xf32, #tpu.memory_space<hbm>> -> memref<4x4096xf32, #tpu.memory_space<hbm>>
      tpu.wait_dma2 semaphore(%arg22 : memref<!tpu.dma_semaphore, #tpu.memory_space<semaphore_mem>>) src(%arg12 : memref<4x4096xf32, #tpu.memory_space<vmem>>) dst(%dma_wait3A_327 : memref<4x4096xf32, #tpu.memory_space<hbm>>)
      %lt3A_328 = arith.constant 31 : i32
      %lt3A_329 = arith.cmpi slt, %scan3A_50, %lt3A_328 : i32
      %convert_element_type3A_330 = arith.extui %lt3A_329 : i1 to i32
      %cond3A_331 = arith.constant 0 : i32
      %cond3A_332 = arith.cmpi ne, %convert_element_type3A_330, %cond3A_331 : i32
      scf.if %cond3A_332 {
        %add3A_333 = arith.constant 1 : i32
        %add3A_334 = arith.addi %scan3A_50, %add3A_333 : i32
        %mul3A_335 = arith.constant 40 : i32
        %mul3A_336 = arith.muli %add3A_334, %mul3A_335 : i32
        %add3A_337 = arith.constant 24 : i32
        %add3A_338 = arith.addi %mul3A_336, %add3A_337 : i32
        %dma_start3A_339 = tpu.memref_slice %arg7[%add3A_338] : memref<1296xi32, #tpu.memory_space<vmem>> -> memref<4xi32, #tpu.memory_space<vmem>>
        %dma_start3A_340 = arith.constant 0 : i32
        %dma_start3A_341 = arith.constant 0 : i32
        %dma_start3A_342 = tpu.memref_slice %arg3[%dma_start3A_340, %dma_start3A_341] : memref<100003x4096xf32, #tpu.memory_space<hbm>> -> memref<100003x4096xf32, #tpu.memory_space<hbm>>
        tpu.enqueue_indirect_dma source(%dma_start3A_342 : memref<100003x4096xf32, #tpu.memory_space<hbm>>) target(%arg12 : memref<4x4096xf32, #tpu.memory_space<vmem>>) offsets(%dma_start3A_339 : memref<4xi32, #tpu.memory_space<vmem>>) semaphore(%arg17 : memref<!tpu.dma_semaphore, #tpu.memory_space<semaphore_mem>>)
      } else {
      }
    }
    %scan3A_40 = arith.constant 32 : i32
    %add3A_41 = arith.constant 31 : i32
    %add3A_42 = arith.addi %mul3A_4, %add3A_41 : i32
    %dma_wait3A = arith.constant 16 : i32
    %dma_wait3A_43 = arith.constant 0 : i32
    %dma_wait3A_44 = tpu.memref_slice %arg5[%add3A_42, %dma_wait3A, %dma_wait3A_43] : memref<1024x20x4096xf32, #tpu.memory_space<hbm>> -> memref<1x4x4096xf32, #tpu.memory_space<hbm>>
    %dma_wait3A_45 = tpu.memref_squeeze %dma_wait3A_44 : memref<1x4x4096xf32, #tpu.memory_space<hbm>> -> memref<4x4096xf32, #tpu.memory_space<hbm>>
    %dma_wait3A_46 = arith.constant 16 : i32
    %dma_wait3A_47 = arith.constant 0 : i32
    %dma_wait3A_48 = tpu.memref_slice %arg5[%add3A_42, %dma_wait3A_46, %dma_wait3A_47] : memref<1024x20x4096xf32, #tpu.memory_space<hbm>> -> memref<1x4x4096xf32, #tpu.memory_space<hbm>>
    %dma_wait3A_49 = tpu.memref_squeeze %dma_wait3A_48 : memref<1x4x4096xf32, #tpu.memory_space<hbm>> -> memref<4x4096xf32, #tpu.memory_space<hbm>>
    tpu.wait_dma2 semaphore(%arg23 : memref<!tpu.dma_semaphore, #tpu.memory_space<semaphore_mem>>) src(%arg13 : memref<4x4096xf32, #tpu.memory_space<vmem>>) dst(%dma_wait3A_49 : memref<4x4096xf32, #tpu.memory_space<hbm>>)
    return
  }
}

</mosaic_0001>

<sc_bundles>
// kernel: _run.3.cloned.1.call-start
scs
__scs_entry_jumppad:
0x0: {  	(pc) =	sbr.rel $0x88, $3  }
0x1: {  	(tag) =	ssettag $0x0;
	lr =	simm.s32 $0x1  }
0x2: {  	[smem:$0x3F9E] =	sst lr;
	_ =	strace $0xD0000000  }
0x3: {  	_ = 	snop  }
0x4: {  	_ = 	snop  }
0x5: {  	_ = 	snop  }
0x6: {  	_ = 	snop  }
0x7: {  	_ = 	snop  }
__scs_overlays_trampoline_lowered:
0x8: {  	[smem:$0x3FAD] =	sst s0  }
0x9: {  	[smem:$0x3FAE] =	sst s1  }
0xa: {  	[smem:$0x3FAF] =	sst s2  }
0xb: {  	[smem:$0x3FB0] =	sst s3  }
0xc: {  	[smem:$0x3FB1] =	sst s4  }
0xd: {  	[smem:$0x3FB2] =	sst s5  }
0xe: {  	[smem:$0x3FB3] =	sst s6  }
0xf: {  	[smem:$0x3FB4] =	sst s7  }
0x10: {  	[smem:$0x3FB5] =	sst s8  }
0x11: {  	[smem:$0x3FB6] =	sst s9;
	s0 =	simm.s32 @!p0 $0x0  }
0x12: {  	s1 =	sld [smem:$0x3F9C];
	s0 =	simm.s32 @p0 $0x1  }
0x13: {  	[smem:$0x3FB7] =	sst s0;
	s0 =	simm.s32 @!p1 $0x0  }
0x14: {  	s2 =	sld [smem:$0x3F9B];
	s0 =	simm.s32 @p1 $0x1  }
0x15: {  	[smem:$0x3FB8] =	sst s0;
	s0 =	simm.s32 @!p2 $0x0  }
0x16: {  	s3 =	sld [smem:$0x3FDB];
	s0 =	simm.s32 @p2 $0x1  }
0x17: {  	s4 =	simm.s32 $0x1BF5;
	[smem:$0x3FBA] =	sst s0  }
0x18: {  	s0 =	sld [smem:$0x3F9D];
	_ =	swait.ge [sflag:s4], $0x0  }
0x19: {  	s7 =	sld [smem:$0x3F9E]  }
0x1a: {  	s8 =	sadd.s32 $0xFFFFE003, lr  }
0x1b: {  	s9 =	sadd.s32 $0xFFFFFEF7, lr;
	s5 =	simm.s32 $0xFFFFFFFF;
	p2 =	slt.u32 s8, $0xFFFFF086  }
0x1c: {  	p1 =	slt.u32 s9, $0xF7A;
	s5 =	simm.s32 @!p2 $0x0  }
0x1d: {  	s5 =	simm.s32 @p1 $0x1;
	p0 =	seq.s32 s7, s2  }
0x1e: {  	s7 =	smul.u32 @!p0 $0xF7A, s2;
	p2 =	seq.s32 @!p0 s5, $0x0  }
0x1f: {  	s9 =	smul.u32 $0xF7A, s1;
	s8 =	simm.s32 @!p0 $0x1BF5;
	p2 =	por !p2, p0  }
0x20: {  	[sflag:s8] =	ssyncset.s32 @!p0 $0xFFFFF086;
	s6 =	sadd.s32 @!p0 s3, s7;
	s7 =	simm.s32 @!p0 $0x108  }
0x21: {  	s3 =	sadd.s32 s3, s9;
	s6 =	sadd.s32 @!p0 $0x88, s6;
	s7 =	simm.s32 @p2 $0x1082  }
0x22: {  	[simem:s7], [sflag:s8] =	dma.local @!p0 [hbm:s6], $0xF7A  }
0x23: {  	s9 =	sor.u32 $0xD0000000, s2;
	s6 =	simm.s32 $0x108;
	_ =	swait.ge @!p0 [sflag:s8], $0x0  }
0x24: {  	s3 =	sadd.s32 $0x88, s3;
	s6 =	simm.s32 @!p1 $0x1082;
	[sflag:s4] =	ssyncset.s32 $0xFFFFF086  }
0x25: {  	[simem:s6], [sflag:s4] =	dma.local [hbm:s3], $0xF7A  }
0x26: {  	[smem:$0x3F9E] =	sst s1;
	(tag) =	ssettag s2;
	_ =	strace s9  }
0x27: {  	s1 =	sld [smem:$0x3FAE]  }
0x28: {  	s2 =	sld [smem:$0x3FAF]  }
0x29: {  	s4 =	sld [smem:$0x3FB1]  }
0x2a: {  	p0 =	seq.s32 s5, $0x0;
	s5 =	sld [smem:$0x3FB2]  }
0x2b: {  	s6 =	sld [smem:$0x3FB3]  }
0x2c: {  	s7 =	sld [smem:$0x3FB4]  }
0x2d: {  	s3 =	simm.s32 $0x108;
	s8 =	sld [smem:$0x3FB5]  }
0x2e: {  	s3 =	simm.s32 @!p0 $0x1082;
	s9 =	sld [smem:$0x3FB6]  }
0x2f: {  	lr =	sadd.s32 s0, s3;
	s0 =	sld [smem:$0x3FAD]  }
0x30: {  	s3 =	sld [smem:$0x3FB0]  }
0x31: {  	[smem:$0x3FB9] =	sst s10  }
0x32: {  	s10 =	sld [smem:$0x3FB7];
	_ =	sdelay $0x3  }
0x33: {  	p0 =	seq.s32 s10, $0x1;
	s10 =	sld [smem:$0x3FB9];
	_ =	sdelay $0x3  }
0x34: {  	[smem:$0x3FB9] =	sst s10  }
0x35: {  	s10 =	sld [smem:$0x3FB8];
	_ =	sdelay $0x3  }
0x36: {  	p1 =	seq.s32 s10, $0x1;
	s10 =	sld [smem:$0x3FB9];
	_ =	sdelay $0x3  }
0x37: {  	[smem:$0x3FB9] =	sst s10  }
0x38: {  	s10 =	sld [smem:$0x3FBA]  }
0x39: {  	_ = 	snop;
	(pc) =	sbr.ind lr, $3  }
0x3a: {  	_ = 	snop  }
0x3b: {  	_ = 	snop  }
0x3c: {  	p2 =	seq.s32 s10, $0x1;
	s10 =	sld [smem:$0x3FB9]  }
0x3d: {  	_ =	shalt  }
0x3e: {  	_ =	shalt  }
0x3f: {  	_ =	shalt  }
0x40: {  	_ =	shalt  }
0x41: {  	_ =	shalt  }
0x42: {  	_ =	shalt  }
0x43: {  	_ =	shalt  }
0x44: {  	_ =	shalt  }
0x45: {  	_ =	shalt  }
0x46: {  	_ =	shalt  }
0x47: {  	_ =	shalt  }
0x48: {  	_ =	shalt  }
0x49: {  	_ =	shalt  }
0x4a: {  	_ =	shalt  }
0x4b: {  	_ =	shalt  }
0x4c: {  	_ =	shalt  }
0x4d: {  	_ =	shalt  }
0x4e: {  	_ =	shalt  }
0x4f: {  	_ =	shalt  }
0x50: {  	_ =	shalt  }
0x51: {  	_ =	shalt  }
0x52: {  	_ =	shalt  }
0x53: {  	_ =	shalt  }
0x54: {  	_ =	shalt  }
0x55: {  	_ =	shalt  }
0x56: {  	_ =	shalt  }
0x57: {  	_ =	shalt  }
0x58: {  	_ =	shalt  }
0x59: {  	_ =	shalt  }
0x5a: {  	_ =	shalt  }
0x5b: {  	_ =	shalt  }
0x5c: {  	_ =	shalt  }
0x5d: {  	_ =	shalt  }
0x5e: {  	_ =	shalt  }
0x5f: {  	_ =	shalt  }
0x60: {  	_ =	shalt  }
0x61: {  	_ =	shalt  }
0x62: {  	_ =	shalt  }
0x63: {  	_ =	shalt  }
0x64: {  	_ =	shalt  }
0x65: {  	_ =	shalt  }
0x66: {  	_ =	shalt  }
0x67: {  	_ =	shalt  }
0x68: {  	_ =	shalt  }
0x69: {  	_ =	shalt  }
0x6a: {  	_ =	shalt  }
0x6b: {  	_ =	shalt  }
0x6c: {  	_ =	shalt  }
0x6d: {  	_ =	shalt  }
0x6e: {  	_ =	shalt  }
0x6f: {  	_ =	shalt  }
0x70: {  	_ =	shalt  }
0x71: {  	_ =	shalt  }
0x72: {  	_ =	shalt  }
0x73: {  	_ =	shalt  }
0x74: {  	_ =	shalt  }
0x75: {  	_ =	shalt  }
0x76: {  	_ =	shalt  }
0x77: {  	_ =	shalt  }
0x78: {  	_ =	shalt  }
0x79: {  	_ =	shalt  }
0x7a: {  	_ =	shalt  }
0x7b: {  	_ =	shalt  }
0x7c: {  	_ =	shalt  }
0x7d: {  	_ =	shalt  }
0x7e: {  	_ =	shalt  }
0x7f: {  	_ =	shalt  }
0x80: {  	_ =	shalt  }
0x81: {  	_ =	shalt  }
0x82: {  	_ =	shalt  }
0x83: {  	_ =	shalt  }
0x84: {  	_ =	shalt  }
0x85: {  	_ =	shalt  }
0x86: {  	_ =	shalt  }
0x87: {  	_ =	shalt  }
.Lfunc_end0:
.L_simem_size_0:
called_computation_lowered:
.L_overlay_start_0:
0x88: {  	s2 =	sld [smem:$0x3FD9]  }
0x89: {  	s3 =	sld [smem:$0x3FFE];
	_ =	sdelay $0x1  }
0x8a: {  	s1 =	srdreg.scid  }
0x8b: {  	s0 =	sand.u32 $0x1, s1  }
0x8c: {  	s17 =	sshll.u32 s0, $0xA;
	s2 =	sadd.s32 s3, s2  }
0x8d: {  	s2 =	sadd.s32 s2, s17  }
0x8e: {  	[smem:$0x3FC5] =	sst s2  }
0x8f: {  	_ = 	snop  }
0x90: {  	s2 =	sld [smem:$0x3FC9]  }
0x91: {  	s18 =	sld [smem:$0x3FC8]  }
0x92: {  	s4 =	sld [smem:$0x3FC7];
	(tm) =	ssettm $0x1  }
0x93: {  	s5 =	sld [smem:$0x3FFB];
	_ =	sdelay $0x3  }
0x94: {  	_ =	strace s5  }
0x95: {  	s5 =	sld [smem:$0x3FFC];
	_ =	sdelay $0x3  }
0x96: {  	_ =	strace s5  }
0x97: {  	s5 =	sld [smem:$0x3FFD];
	_ =	sdelay $0x3  }
0x98: {  	_ =	strace s5  }
0x99: {  	_ =	strace $0x8FFFFFFF  }
0x9a: {  	s19 =	sld [smem:$0x3FDB];
	_ =	sdelay $0x1  }
0x9b: {  	s6 =	simm.s32 $_scs_section_size  }
0x9c: {  	s7 =	simm.s32 $_size__tile_overlayer_lowered;
	s8 =	simm.s32 $_tile_overlayer_lowered  }
0x9d: {  	s22 =	simm.s32 $0x1BFF;
	s21 =	sshll.u32 s8, $0x1;
	s5 =	sadd.s32 s6, s19  }
0x9e: {  	s9 =	simm.s32 $0x0;
	s20 =	sshll.u32 s7, $0x1;
	s7 =	sadd.s32 s21, s5  }
0x9f: {  	[timem:s9], [sflag:s22] =	dma.local [hbm:s7], s20  }
0xa0: {  	_ =	swait.ge [sflag:s22], s20  }
0xa1: {  	s6 =	ssub.s32 $0x0, s20;
	[sflag:s22] =	ssyncset.done $0x0  }
0xa2: {  	[sflag:s22] =	ssyncadd.s32 s6;
	_ =	sdelay $0x1  }
0xa3: {  	s23 =	simm.s32 $0x1B8B  }
0xa4: {  	_ =	swait.ge [sflag:s23], $0x1  }
0xa5: {  	[sflag:s23] =	ssyncset.done $0x0  }
0xa6: {  	s25 =	simm.s32 $0x1B8E;
	s24 =	sld [smem:$0x3FFE];
	[sflag:s23] =	ssyncadd.s32 $0xFFFFFFFF  }
0xa7: {  	s26 =	simm.s32 $execute0_lowered;
	[smem:$0x3FD2] =	sst s25  }
0xa8: {  	s7 =	sshll.u32 s26, $0x1;
	_ =	strace $0x80000046;
	[dreg:$0x1] =	wrdreg $0xFFFFFFFF  }
0xa9: {  	s28 =	simm.s32 $_size_execute0_lowered;
	s5 =	sadd.s32 s5, s7;
	[dreg:$0x0] =	wrdreg $0x0  }
0xaa: {  	s7 =	sshll.u32 s28, $0x1;
	[dreg:$0x2] =	wrdreg s5  }
0xab: {  	[dreg:$0x3] =	wrdreg s7  }
0xac: {  	[dreg:$0x4] =	wrdreg $0xC0  }
0xad: {  	_ =	task [dreg:s9], $0x5FFFF  }
0xae: {  	[dreg:$0x1] =	wrdreg $0xFFFFFFFF  }
0xaf: {  	[dreg:$0x0] =	wrdreg $0x60  }
0xb0: {  	[dreg:$0x2] =	wrdreg s2  }
0xb1: {  	[dreg:$0x3] =	wrdreg s18  }
0xb2: {  	[dreg:$0x4] =	wrdreg s4  }
0xb3: {  	[dreg:$0x5] =	wrdreg s24  }
0xb4: {  	[dreg:$0x6] =	wrdreg $0x9  }
0xb5: {  	_ =	task.clear_ibuf [dreg:s9], $0x7FFFF;
	_ =	strace $0x90000046  }
0xb6: {  	s29 =	simm.s32 $0x9;
	_ =	strace $0x80000048  }
0xb7: {  	_ =	swait.ge [sflag:s29], $0x1  }
0xb8: {  	[sflag:s29] =	ssyncadd.s32 $0xFFFFFFFF  }
0xb9: {  	_ =	strace $0x90000048  }
0xba: {  	_ =	sfence  }
0xbb: {  	s30 =	sld [smem:$0x0];
	_ =	sdelay $0x2  }
0xbc: {  	s31 =	sshll.u32 s1, $0xD;
	s1 =	sshrl.u32 s1, $0x2  }
0xbd: {  	s3 =	sand.u32 $0x4000, s31;
	s1 =	sadd.s32 s1, s30  }
0xbe: {  	s0 =	sor.u32 s3, s0;
	s1 =	sshll.u32 s1, $0x11  }
0xbf: {  	s0 =	sor.u32 s1, s0  }
0xc0: {  	s0 =	sadd.s32 $0x8F2B, s0  }
0xc1: {  	[sflag:s0] =	ssyncadd.remote.s32 $0x1  }
0xc2: {  	_ =	sfence.sel $0xFFFF  }
0xc3: {  	[dreg:$0x0] =	wrdreg $0xFFFFFFFF;
	(pc) =	sbr.abs _section_cstart, $3  }
0xc4: {  	[dreg:$0x1] =	wrdreg $0xFFFFFFFF  }
0xc5: {  	_ =	task.clear_ibuf [dreg:s9], $0x2FFFF;
	_ =	strace $0x9FFFFFFF  }
0xc6: {  	(tm) =	ssettm $0x7FFFFFFF  }
0xc7: {  	_ =	shalt  }
tec
execute0_lowered:
.L_overlay_start_1:
0x0: {  	(tag) =	ssettag $0x1  }
0x1: {  	s0 =	rddreg [dreg:$0x0]  }
0x2: {  	s1 =	rddreg [dreg:$0x1]  }
0x3: {  	s2 =	rddreg [dreg:$0x3]  }
0x4: {  	s3 =	srdreg.scid;
	s5 =	stileid.u32;
	s4 =	simm.s32 $0x0;
	v0 =	vimm.s32 $0xC180;
	vm0 =	vcmask $0x300  }
0x5: {  	s18 =	simm.s32 $0x800;
	s19 =	simm.s32 $0x280;
	s20 =	simm.s32 $0x4800;
	v0 =	vsel vm0, $0x0, v0;
	vm0 =	vcmask $0x704  }
0x6: {  	s29 =	simm.s32 $0x8800;
	s23 =	simm.s32 $0xC800;
	s31 =	simm.s32 $0x200;
	v0 =	vsel vm0, $0x80, v0;
	vm0 =	vcmask $0xB08  }
0x7: {  	s28 =	simm.s32 $0x6;
	s16 =	simm.s32 $0x3;
	s17 =	simm.s32 $0x7;
	v0 =	vsel vm0, $0x100, v0;
	vm0 =	vcmask $0xF0C  }
0x8: {  	s21 =	simm.s32 $0x8;
	s22 =	simm.s32 $0x5;
	s24 =	simm.s32 $0x9;
	v0 =	vsel vm0, $0x180, v0;
	vm0 =	vcmask $0x1310  }
0x9: {  	s15 =	simm.s32 $0x0;
	s3 =	sand.u32 $0x1, s3;
	s5 =	sshll.u32 s5, $0x1;
	v0 =	vsel vm0, $0x4000, v0;
	vm0 =	vcmask $0x1714  }
0xa: {  	[smem:$0x7FF] =	sst s4;
	s8 =	sadd.s32 $0x400, s2;
	s9 =	sadd.s32 $0x400, s1;
	v0 =	vsel vm0, $0x4080, v0;
	vm0 =	vcmask $0x1B18  }
0xb: {  	s10 =	sadd.s32 $0x600, s1;
	s11 =	sadd.s32 $0x800, s1;
	s12 =	sadd.s32 $0xA00, s1;
	v0 =	vsel vm0, $0x4100, v0;
	vm0 =	vcmask $0x1F1C  }
0xc: {  	s13 =	sadd.s32 $0xC00, s1;
	s14 =	sadd.s32 $0xE00, s1;
	s26 =	sadd.s32 $0x440, s2;
	v0 =	vsel vm0, $0x4180, v0;
	vm0 =	vcmask $0x2320  }
0xd: {  	s2 =	simm.s32 $0x10800;
	s6 =	ssub.s32 $0x2, s3;
	s3 =	sor.u32 s3, s5;
	v1 =	vsel vm0, $0x8000, v0;
	vm0 =	vcmask $0x2724  }
0xe: {  	vm2 =	vcmask $0x3B38;
	_ =	strace $0x80000047;
	[dreg:$0x5] =	wrdreg s8;
	s7 =	smul.u32 $0x50, s3;
	v2 =	vsel vm0, $0x8080, v1;
	vm0 =	vcmask $0x2B28  }
.Ltmp0:
0xf: {  	vm1 =	vmmov $0xf;
	s8 =	sadd.s32 $0x200, s1;
	[dreg:$0x8] =	wrdreg s26;
	v3 =	vsel vm0, $0x8100, v2;
	vm0 =	vcmask $0x2F2C;
	(pc) =	sbr.rel .LBB2_1-.Ltmp0, $4  }
0x10: {  	s26 =	simm.s32 $0x2;
	s25 =	sshrl.u32 s6, $0x1;
	s3 =	sshll.u32 s3, $0x5;
	v1 =	vlaneseq.u32;
	v3 =	vsel vm0, $0x8180, v3;
	vm0 =	vcmask $0x3330  }
0x11: {  	s5 =	ssub.s32 s6, s25;
	[dreg:$0x6] =	wrdreg s3;
	s0 =	sadd.s32 s0, s7;
	v4 =	vshrl.u32 v1, $0x2;
	v5 =	vsel vm0, $0xC000, v3;
	vm0 =	vcmask $0x3734  }
0x12: {  	s3 =	simm.s32 $0x4;
	s30 =	smax.u32 s5, $0x1;
	[dreg:$0x7] =	wrdreg s0;
	v0 =	vimm.s32 $0x0;
	v3 =	vmul.u32 $0x8, v4;
	v4 =	vsel vm0, $0xC080, v5  }
0x13: {  	s7 =	simm.s32 $0x14800;
	[dreg:$0x9] =	wrdreg s30;
	s0 =	simm.s32 $0x400;
	v2 =	vand.u32 $0x3, v1;
	vm0 =	vmmov $0xffff;
	v4 =	vsel vm2, $0xC100, v4  }
.LBB2_28:
0x14: {  	s6 =	simm.s32 $0xA  }
0x15: {  	_ =	swait.ge [sflag:s6], $0x4000  }
0x16: {  	s15 =	rddreg [dreg:$0xa]  }
0x17: {  	s5 =	rddreg [dreg:$0x9];
	s15 =	sadd.s32 $0x1, s15  }
0x18: {  	p0 =	sne.s32 s15, s5  }
.Ltmp1:
0x19: {  	_ = 	snop;
	(pc) =	sbr.rel @!p0 .LBB2_29-.Ltmp1, $3  }
0x1a: {  	_ =	sdelay $0x1  }
0x1b: {  	[sflag:s6] =	ssyncset.done $0x0  }
0x1c: {  	[sflag:s6] =	ssyncadd.s32 $0xFFFFC000  }
.LBB2_1:
0x1d: {  	s5 =	rddreg [dreg:$0x7];
	s6 =	simm.s32 $0xB  }
0x1e: {  	[tilespmem:s4], [sflag:$0xB] =	stream.linear.gather [hbm4b:s5+s4], $0x280, $0x38;
	[tilespmem:$0x18800] =	vst v63  }
0x1f: {  	_ =	swait.ge [sflag:s6], $0x280  }
0x20: {  	[sflag:s6] =	ssyncset.done $0x0  }
0x21: {  	[sflag:s6] =	ssyncadd.s32 $0xFFFFFD80  }
0x22: {  	s30 =	rddreg [dreg:$0x2]  }
0x23: {  	[tilespmem:s18], [sflag:$0xB] =	stream.linear.gather [hbm4b:s30+s4], $0x4000, $0x38;
	[tilespmem:$0x18800] =	vst v63  }
0x24: {  	_ =	swait.ge [sflag:s6], $0x4000  }
0x25: {  	[sflag:s6] =	ssyncset.done $0x0  }
0x26: {  	s5 =	simm.s32 $0x0;
	[sflag:s6] =	ssyncadd.s32 $0xFFFFC000  }
.LBB2_2:
0x27: {  	p0 =	sne.s32 s5, $0x1400  }
.Ltmp2:
0x28: {  	_ = 	snop;
	(pc) =	sbr.rel @p0 .LBB2_2-.Ltmp2, $3  }
0x29: {  	_ =	sdelay $0x1  }
0x2a: {  	s6 =	sshra.s32 s5, $0x2  }
0x2b: {  	s5 =	sadd.s32 $0x40, s5;
	[tilespmem:s6+$0x280] =	vst v0  }
0x2c: {  	s5 =	simm.s32 $0x0  }
0x2d: {  	v5 =	vor.u32 s5, v1  }
0x2e: {  	v6 =	vmulhi.u32 $0xCCCCCCCD, v5;
	_ =	sdelay $0x1  }
0x2f: {  	v6 =	vshrl.u32 v6, $0x4  }
0x30: {  	v7 =	vmul.u32 $0xFFFFFFEC, v6  }
0x31: {  	s6 =	simm.s32 $0x10  }
0x32: {  	v8 =	vmov s5;
	v9 =	vor.u32 s6, v1;
	v5 =	vadd.s32 v5, v7  }
0x33: {  	vm2 =	veq.s32 v8, v1;
	v7 =	vmulhi.u32 $0xCCCCCCCD, v9;
	vm3 =	vne.s32 v5, $0x0  }
0x34: {  	vm2 =	vmand vm2, vm3  }
0x35: {  	v12 =	vshrl.u32 v7, $0x4;
	v7 =	vsel vm2, $0xFFFFFFFF, v0  }
0x36: {  	s30 =	simm.s32 $0x20;
	v10 =	vmov s6;
	v8 =	vmul.u32 $0xFFFFFFEC, v12;
	v7 =	vadd.s32 v7, v6  }
0x37: {  	v5 =	vshll.u32 v5, $0x1;
	v6 =	vor.u32 s30, v1;
	v11 =	vmul.u32 $0x28, v7  }
0x38: {  	v5 =	vand.u32 $0x38, v5;
	v7 =	vadd.s32 v9, v8;
	v9 =	vmulhi.u32 $0xCCCCCCCD, v6  }
0x39: {  	vm2 =	veq.s32 v10, v1;
	vm3 =	vne.s32 v7, $0x0;
	v5 =	vadd.s32 v5, v11  }
0x3a: {  	vm2 =	vmand vm2, vm3;
	v8 =	vor.u32 v2, v5;
	v5 =	vshrl.u32 v9, $0x4;
	v9 =	vld [tilespmem:s5+$0x0]  }
0x3b: {  	v13 =	vsel vm2, $0xFFFFFFFF, v0  }
0x3c: {  	[dreg:$0xa] =	wrdreg s15;
	s6 =	simm.s32 $0x30;
	v10 =	vmov s30;
	v11 =	vmul.u32 $0xFFFFFFEC, v5;
	v12 =	vadd.s32 v13, v12  }
.LBB2_4:
0x3d: {  	v13 =	vor.u32 s6, v1;
	v12 =	vmul.u32 $0x28, v12;
	v14 =	vshll.u32 v7, $0x1;
	s15 =	smov.u32 s6;
	p0 =	sne.s32 s6, $0x270  }
.Ltmp3:
0x3e: {  	s6 =	sadd.s32 $0x10, s6;
	vm2 =	veq.s32 v10, v1;
	v7 =	vadd.s32 v6, v11;
	v10 =	vand.u32 $0x38, v14;
	v6 =	vmovc v13;
	(pc) =	sbr.rel @p0 .LBB2_4-.Ltmp3, $4  }
0x3f: {  	s5 =	sadd.s32 $0x10, s5;
	v11 =	vmulhi.u32 $0xCCCCCCCD, v6;
	vm3 =	vne.s32 v7, $0x0;
	v10 =	vadd.s32 v10, v12;
	[tilespmem:v8+s19+$0x0] =	vst.idx.msk $0xffff, v9  }
0x40: {  	vm2 =	vmand vm2, vm3;
	v9 =	vld [tilespmem:s5+$0x0];
	v8 =	vor.u32 v2, v10  }
0x41: {  	v13 =	vshrl.u32 v11, $0x4;
	v12 =	vsel vm2, $0xFFFFFFFF, v0  }
0x42: {  	v10 =	vmov s15;
	v11 =	vmul.u32 $0xFFFFFFEC, v13;
	v12 =	vadd.s32 v12, v5;
	v5 =	vmovc v13  }
0x43: {  	_ =	sdelay $0x1  }
0x44: {  	v12 =	vmul.u32 $0x28, v12;
	v7 =	vshll.u32 v7, $0x1  }
0x45: {  	v6 =	vadd.s32 v6, v11;
	v7 =	vand.u32 $0x38, v7  }
0x46: {  	vm2 =	veq.s32 v10, v1;
	s5 =	sadd.s32 $0x10, s5;
	vm3 =	vne.s32 v6, $0x0;
	v7 =	vadd.s32 v7, v12;
	[tilespmem:v8+s19+$0x0] =	vst.idx.msk $0xffff, v9  }
0x47: {  	vm2 =	vmand vm2, vm3;
	v8 =	vld [tilespmem:s5+$0x0];
	v7 =	vor.u32 v2, v7  }
0x48: {  	v63 =	vsel vm2, $0xFFFFFFFF, v0  }
0x49: {  	v5 =	vadd.s32 v63, v5  }
0x4a: {  	v6 =	vshll.u32 v6, $0x1;
	v5 =	vmul.u32 $0x28, v5  }
0x4b: {  	v6 =	vand.u32 $0x38, v6  }
0x4c: {  	s5 =	sadd.s32 $0x10, s5;
	v5 =	vadd.s32 v6, v5;
	[tilespmem:v7+s19+$0x0] =	vst.idx.msk $0xffff, v8  }
0x4d: {  	v6 =	vld [tilespmem:s5+$0x0];
	v5 =	vor.u32 v2, v5;
	_ =	sdelay $0x4  }
0x4e: {  	[tilespmem:v5+s19+$0x0] =	vst.idx.msk $0xffff, v6  }
0x4f: {  	v5 =	vld.msk [tilespmem:$0x280], $0xf;
	_ =	sdelay $0x4  }
0x50: {  	v6 =	vshll.u32 v5, $0x5  }
0x51: {  	v5 =	vand.u32 $0x7, v5;
	v6 =	vand.u32 $0xFFFFFF00, v6  }
0x52: {  	v5 =	vor.u32 v5, v6  }
0x53: {  	v5 =	vperm.xlane v5, v2;
	_ =	sdelay $0x1  }
0x54: {  	v5 =	vadd.s32 v3, v5;
	_ =	sdelay $0x3  }
0x55: {  	s25 =	simm.s32 $0x0  }
0x56: {  	[tilespmem:s20], [sflag:$0x1] =	stream.indirect_vreg.gather [hbm4b:s1+s25], $0x80, v5, vm0, $0xb8;
	[tilespmem:$0x18800] =	vst v63  }
0x57: {  	s30 =	simm.s32 $0x5000  }
0x58: {  	[tilespmem:s30], [sflag:$0x1] =	stream.indirect_vreg.gather [hbm4b:s8+s25], $0x80, v5, vm0, $0xb8;
	[tilespmem:$0x18800] =	vst v63  }
0x59: {  	s6 =	simm.s32 $0x5800  }
0x5a: {  	[tilespmem:s6], [sflag:$0x1] =	stream.indirect_vreg.gather [hbm4b:s9+s25], $0x80, v5, vm0, $0xb8;
	[tilespmem:$0x18800] =	vst v63  }
0x5b: {  	s15 =	simm.s32 $0x6000  }
0x5c: {  	[tilespmem:s15], [sflag:$0x1] =	stream.indirect_vreg.gather [hbm4b:s10+s25], $0x80, v5, vm0, $0xb8;
	[tilespmem:$0x18800] =	vst v63  }
0x5d: {  	s30 =	simm.s32 $0x6800  }
0x5e: {  	[tilespmem:s30], [sflag:$0x1] =	stream.indirect_vreg.gather [hbm4b:s11+s25], $0x80, v5, vm0, $0xb8;
	[tilespmem:$0x18800] =	vst v63  }
0x5f: {  	s6 =	simm.s32 $0x7000  }
0x60: {  	[tilespmem:s6], [sflag:$0x1] =	stream.indirect_vreg.gather [hbm4b:s12+s25], $0x80, v5, vm0, $0xb8;
	[tilespmem:$0x18800] =	vst v63  }
0x61: {  	s15 =	simm.s32 $0x7800  }
0x62: {  	[tilespmem:s15], [sflag:$0x1] =	stream.indirect_vreg.gather [hbm4b:s13+s25], $0x80, v5, vm0, $0xb8;
	[tilespmem:$0x18800] =	vst v63  }
0x63: {  	s30 =	simm.s32 $0x8000  }
0x64: {  	[tilespmem:s30], [sflag:$0x1] =	stream.indirect_vreg.gather [hbm4b:s14+s25], $0x80, v5, vm0, $0xb8;
	[tilespmem:$0x18800] =	vst v63  }
0x65: {  	v5 =	vld.msk [tilespmem:$0x288], $0xf;
	_ =	sdelay $0x4  }
0x66: {  	v6 =	vshll.u32 v5, $0x5  }
0x67: {  	v5 =	vand.u32 $0x7, v5;
	v6 =	vand.u32 $0xFFFFFF00, v6  }
0x68: {  	v5 =	vor.u32 v5, v6  }
0x69: {  	v5 =	vperm.xlane v5, v2;
	_ =	sdelay $0x1  }
0x6a: {  	v5 =	vadd.s32 v3, v5;
	_ =	sdelay $0x4  }
0x6b: {  	[tilespmem:s29], [sflag:$0x2] =	stream.indirect_vreg.gather [hbm4b:s1+s25], $0x80, v5, vm0, $0xb8;
	[tilespmem:$0x18800] =	vst v63  }
0x6c: {  	s6 =	simm.s32 $0x9000  }
0x6d: {  	[tilespmem:s6], [sflag:$0x2] =	stream.indirect_vreg.gather [hbm4b:s8+s25], $0x80, v5, vm0, $0xb8;
	[tilespmem:$0x18800] =	vst v63  }
0x6e: {  	s15 =	simm.s32 $0x9800  }
0x6f: {  	[tilespmem:s15], [sflag:$0x2] =	stream.indirect_vreg.gather [hbm4b:s9+s25], $0x80, v5, vm0, $0xb8;
	[tilespmem:$0x18800] =	vst v63  }
0x70: {  	s30 =	simm.s32 $0xA000  }
0x71: {  	[tilespmem:s30], [sflag:$0x2] =	stream.indirect_vreg.gather [hbm4b:s10+s25], $0x80, v5, vm0, $0xb8;
	[tilespmem:$0x18800] =	vst v63  }
0x72: {  	s6 =	simm.s32 $0xA800  }
0x73: {  	[tilespmem:s6], [sflag:$0x2] =	stream.indirect_vreg.gather [hbm4b:s11+s25], $0x80, v5, vm0, $0xb8;
	[tilespmem:$0x18800] =	vst v63  }
0x74: {  	s15 =	simm.s32 $0xB000  }
0x75: {  	[tilespmem:s15], [sflag:$0x2] =	stream.indirect_vreg.gather [hbm4b:s12+s25], $0x80, v5, vm0, $0xb8;
	[tilespmem:$0x18800] =	vst v63  }
0x76: {  	s30 =	simm.s32 $0xB800  }
0x77: {  	[tilespmem:s30], [sflag:$0x2] =	stream.indirect_vreg.gather [hbm4b:s13+s25], $0x80, v5, vm0, $0xb8;
	[tilespmem:$0x18800] =	vst v63  }
0x78: {  	s6 =	simm.s32 $0xC000  }
0x79: {  	[tilespmem:s6], [sflag:$0x2] =	stream.indirect_vreg.gather [hbm4b:s14+s25], $0x80, v5, vm0, $0xb8;
	[tilespmem:$0x18800] =	vst v63  }
0x7a: {  	v5 =	vld.msk [tilespmem:$0x290], $0xf;
	_ =	sdelay $0x4  }
0x7b: {  	v6 =	vshll.u32 v5, $0x5  }
0x7c: {  	v5 =	vand.u32 $0x7, v5;
	v6 =	vand.u32 $0xFFFFFF00, v6  }
0x7d: {  	v5 =	vor.u32 v5, v6  }
0x7e: {  	v5 =	vperm.xlane v5, v2;
	_ =	sdelay $0x1  }
0x7f: {  	v5 =	vadd.s32 v3, v5;
	_ =	sdelay $0x4  }
0x80: {  	[tilespmem:s23], [sflag:$0x3] =	stream.indirect_vreg.gather [hbm4b:s1+s25], $0x80, v5, vm0, $0xb8;
	[tilespmem:$0x18800] =	vst v63  }
0x81: {  	s15 =	simm.s32 $0xD000  }
0x82: {  	[tilespmem:s15], [sflag:$0x3] =	stream.indirect_vreg.gather [hbm4b:s8+s25], $0x80, v5, vm0, $0xb8;
	[tilespmem:$0x18800] =	vst v63  }
0x83: {  	s30 =	simm.s32 $0xD800  }
0x84: {  	[tilespmem:s30], [sflag:$0x3] =	stream.indirect_vreg.gather [hbm4b:s9+s25], $0x80, v5, vm0, $0xb8;
	[tilespmem:$0x18800] =	vst v63  }
0x85: {  	s6 =	simm.s32 $0xE000  }
0x86: {  	[tilespmem:s6], [sflag:$0x3] =	stream.indirect_vreg.gather [hbm4b:s10+s25], $0x80, v5, vm0, $0xb8;
	[tilespmem:$0x18800] =	vst v63  }
0x87: {  	s15 =	simm.s32 $0xE800  }
0x88: {  	[tilespmem:s15], [sflag:$0x3] =	stream.indirect_vreg.gather [hbm4b:s11+s25], $0x80, v5, vm0, $0xb8;
	[tilespmem:$0x18800] =	vst v63  }
0x89: {  	s30 =	simm.s32 $0xF000  }
0x8a: {  	[tilespmem:s30], [sflag:$0x3] =	stream.indirect_vreg.gather [hbm4b:s12+s25], $0x80, v5, vm0, $0xb8;
	[tilespmem:$0x18800] =	vst v63  }
0x8b: {  	s6 =	simm.s32 $0xF800  }
0x8c: {  	[tilespmem:s6], [sflag:$0x3] =	stream.indirect_vreg.gather [hbm4b:s13+s25], $0x80, v5, vm0, $0xb8;
	[tilespmem:$0x18800] =	vst v63  }
0x8d: {  	s15 =	simm.s32 $0x10000  }
0x8e: {  	[tilespmem:s15], [sflag:$0x3] =	stream.indirect_vreg.gather [hbm4b:s14+s25], $0x80, v5, vm0, $0xb8;
	[tilespmem:$0x18800] =	vst v63  }
0x8f: {  	v5 =	vld.msk [tilespmem:$0x298], $0xf;
	_ =	sdelay $0x4  }
0x90: {  	v6 =	vshll.u32 v5, $0x5  }
0x91: {  	v5 =	vand.u32 $0x7, v5;
	v6 =	vand.u32 $0xFFFFFF00, v6  }
0x92: {  	v5 =	vor.u32 v5, v6  }
0x93: {  	v5 =	vperm.xlane v5, v2;
	_ =	sdelay $0x1  }
0x94: {  	v5 =	vadd.s32 v3, v5;
	_ =	sdelay $0x4  }
0x95: {  	[tilespmem:s2], [sflag:$0x4] =	stream.indirect_vreg.gather [hbm4b:s1+s25], $0x80, v5, vm0, $0xb8;
	[tilespmem:$0x18800] =	vst v63  }
0x96: {  	s30 =	simm.s32 $0x11000  }
0x97: {  	[tilespmem:s30], [sflag:$0x4] =	stream.indirect_vreg.gather [hbm4b:s8+s25], $0x80, v5, vm0, $0xb8;
	[tilespmem:$0x18800] =	vst v63  }
0x98: {  	s6 =	simm.s32 $0x11800  }
0x99: {  	[tilespmem:s6], [sflag:$0x4] =	stream.indirect_vreg.gather [hbm4b:s9+s25], $0x80, v5, vm0, $0xb8;
	[tilespmem:$0x18800] =	vst v63  }
0x9a: {  	s15 =	simm.s32 $0x12000  }
0x9b: {  	[tilespmem:s15], [sflag:$0x4] =	stream.indirect_vreg.gather [hbm4b:s10+s25], $0x80, v5, vm0, $0xb8;
	[tilespmem:$0x18800] =	vst v63  }
0x9c: {  	s30 =	simm.s32 $0x12800  }
0x9d: {  	[tilespmem:s30], [sflag:$0x4] =	stream.indirect_vreg.gather [hbm4b:s11+s25], $0x80, v5, vm0, $0xb8;
	[tilespmem:$0x18800] =	vst v63  }
0x9e: {  	s6 =	simm.s32 $0x13000  }
0x9f: {  	[tilespmem:s6], [sflag:$0x4] =	stream.indirect_vreg.gather [hbm4b:s12+s25], $0x80, v5, vm0, $0xb8;
	[tilespmem:$0x18800] =	vst v63  }
0xa0: {  	s15 =	simm.s32 $0x13800  }
0xa1: {  	[tilespmem:s15], [sflag:$0x4] =	stream.indirect_vreg.gather [hbm4b:s13+s25], $0x80, v5, vm0, $0xb8;
	[tilespmem:$0x18800] =	vst v63  }
0xa2: {  	s30 =	simm.s32 $0x14000  }
0xa3: {  	[tilespmem:s30], [sflag:$0x4] =	stream.indirect_vreg.gather [hbm4b:s14+s25], $0x80, v5, vm0, $0xb8;
	[tilespmem:$0x18800] =	vst v63  }
.LBB2_6:
0xa4: {  	s6 =	simm.s32 $0x1  }
0xa5: {  	s5 =	smul.u32 $0xA0, s25;
	_ =	swait.ge [sflag:s6], $0x4000  }
0xa6: {  	[sflag:s6] =	ssyncset.done $0x0  }
0xa7: {  	s5 =	sshra.s32 s5, $0x2;
	[sflag:s6] =	ssyncadd.s32 $0xFFFFC000  }
0xa8: {  	v5 =	vld [tilespmem:s5+$0x280];
	_ =	sdelay $0x4  }
0xa9: {  	vm2 =	vgt.s32 v5, $0x1869F  }
0xaa: {  	vm2 =	vmand vm2, vm1  }
0xab: {  	v6 =	vsel vm2, $0x1, v0  }
0xac: {  	v6 =	vor.u32 $0x80000000, v6  }
0xad: {  	(xrf0) =	vmax.scan.msk.u32 $0xffff, v6;
	_ =	sdelay $0x5  }
0xae: {  	v6, _, _ =	vpop (xrf0)  }
0xaf: {  	(v2sf) =	vpush v6, $0xF;
	_ =	sdelay $0xe  }
0xb0: {  	s30 =	spop (v2sf)  }
0xb1: {  	p0 =	slt.u32 s30, $0x80000001  }
.Ltmp4:
0xb2: {  	_ = 	snop;
	(pc) =	sbr.rel @p0 .LBB2_10-.Ltmp4, $1  }
0xb3: {  	_ =	sdelay $0x3  }
0xb4: {  	v5 =	vadd.s32 $0xFFFE7960, v5;
	s6 =	simm.s32 $0x0  }
0xb5: {  	vm3 =	vgt.s32 v5, $0x0;
	v6 =	vmov s6  }
0xb6: {  	v5 =	vnsel vm3, $0x0, v5;
	v7 =	vshll.u32 v6, $0x2  }
0xb7: {  	v6 =	vand.u32 $0x7F, v6;
	v5 =	vmin.u32 v5, $0x2;
	v7 =	vand.u32 $0x3E00, v7  }
0xb8: {  	v5 =	vshll.u32 v5, $0x7;
	v8 =	vor.u32 v6, v7  }
0xb9: {  	v7 =	vor.u32 v5, v8  }
0xba: {  	s15 =	simm.s32 $0x1  }
0xbb: {  	v6 =	vmov s15  }
0xbc: {  	v9 =	vshll.u32 v6, $0x2  }
0xbd: {  	v6 =	vand.u32 $0x7F, v6;
	v9 =	vand.u32 $0x3E00, v9  }
0xbe: {  	v6 =	vor.u32 v6, v9;
	v9 =	vor.u32 v4, v8;
	v7 =	vld.idx.msk [tilespmem:v7+s18+$0x0], vm2  }
0xbf: {  	v8 =	vor.u32 v5, v6;
	_ =	sdelay $0x1  }
0xc0: {  	s30 =	simm.s32 $0x2  }
0xc1: {  	v10 =	vmov s30;
	s6 =	simm.s32 $0x3  }
.LBB2_8:
0xc2: {  	p0 =	sne.s32 s6, $0xFFF;
	v11 =	vshll.u32 v10, $0x2;
	[tilespmem:v9+s20+$0x0] =	vst.idx.msk vm2, v7  }
0xc3: {  	v10 =	vand.u32 $0x7F, v10;
	v11 =	vand.u32 $0x3E00, v11;
	v7 =	vld.idx.msk [tilespmem:v8+s18+$0x0], vm2  }
.Ltmp5:
0xc4: {  	v9 =	vor.u32 v4, v6;
	v6 =	vor.u32 v10, v11;
	(pc) =	sbr.rel @p0 .LBB2_8-.Ltmp5, $2  }
0xc5: {  	v8 =	vor.u32 v5, v6;
	_ =	sdelay $0x2  }
0xc6: {  	v10 =	vmov s6;
	s6 =	sadd.s32 $0x1, s6  }
0xc7: {  	_ =	sdelay $0x3  }
0xc8: {  	v11 =	vshll.u32 v10, $0x2  }
0xc9: {  	[tilespmem:v9+s20+$0x0] =	vst.idx.msk vm2, v7;
	v7 =	vand.u32 $0x7F, v10;
	v63 =	vand.u32 $0x3E00, v11  }
0xca: {  	v6 =	vor.u32 v4, v6;
	v8 =	vld.idx.msk [tilespmem:v8+s18+$0x0], vm2;
	v7 =	vor.u32 v7, v63  }
0xcb: {  	v5 =	vor.u32 v5, v7;
	_ =	sdelay $0x3  }
0xcc: {  	[tilespmem:v6+s20+$0x0] =	vst.idx.msk vm2, v8  }
0xcd: {  	v6 =	vor.u32 v4, v7;
	v5 =	vld.idx.msk [tilespmem:v5+s18+$0x0], vm2;
	_ =	sdelay $0x4  }
0xce: {  	[tilespmem:v6+s20+$0x0] =	vst.idx.msk vm2, v5  }
.LBB2_10:
0xcf: {  	s6 =	rddreg [dreg:$0x6]  }
0xd0: {  	s6 =	sadd.s32 s6, s25  }
0xd1: {  	s6 =	smul.u32 $0x18000, s6;
	_ =	sdelay $0x1  }
0xd2: {  	s30 =	rddreg [dreg:$0x5];
	p0 =	seq.s32 s25, $0x0;
	s15 =	sshrl.u32 s6, $0x3  }
0xd3: {  	s6 =	sadd.s32 s30, s15;
	s30 =	simm.s32 @!p0 $0xA  }
0xd4: {  	[hbm4b:s6+s31] =	stream.strided.scatter [tilespmem:s20], [sflag:$0x6], $0x4000, s0, s31, $0x38;
	[tilespmem:$0x18800] =	vst v63  }
0xd5: {  	_ =	swait.ge @!p0 [sflag:s30], $0x4000  }
0xd6: {  	[sflag:s30] =	ssyncset.done @!p0 $0x0  }
0xd7: {  	[sflag:s30] =	ssyncadd.s32 @!p0 $0xFFFFC000  }
0xd8: {  	v5 =	vld.msk [tilespmem:s5+$0x2A0], $0xf;
	_ =	sdelay $0x4  }
0xd9: {  	v6 =	vshll.u32 v5, $0x5  }
0xda: {  	v5 =	vand.u32 $0x7, v5;
	v6 =	vand.u32 $0xFFFFFF00, v6  }
0xdb: {  	v5 =	vor.u32 v5, v6  }
0xdc: {  	v5 =	vperm.xlane v5, v2;
	_ =	sdelay $0x1  }
0xdd: {  	v5 =	vadd.s32 v3, v5;
	_ =	sdelay $0x4  }
0xde: {  	[tilespmem:s7], [sflag:$0x5] =	stream.indirect_vreg.gather [hbm4b:s1+s4], $0x80, v5, vm0, $0xb8;
	[tilespmem:$0x18800] =	vst v63  }
0xdf: {  	s30 =	simm.s32 $0x15000  }
0xe0: {  	[tilespmem:s30], [sflag:$0x5] =	stream.indirect_vreg.gather [hbm4b:s8+s4], $0x80, v5, vm0, $0xb8;
	[tilespmem:$0x18800] =	vst v63  }
0xe1: {  	s30 =	simm.s32 $0x15800  }
0xe2: {  	[tilespmem:s30], [sflag:$0x5] =	stream.indirect_vreg.gather [hbm4b:s9+s4], $0x80, v5, vm0, $0xb8;
	[tilespmem:$0x18800] =	vst v63  }
0xe3: {  	s30 =	simm.s32 $0x16000  }
0xe4: {  	[tilespmem:s30], [sflag:$0x5] =	stream.indirect_vreg.gather [hbm4b:s10+s4], $0x80, v5, vm0, $0xb8;
	[tilespmem:$0x18800] =	vst v63  }
0xe5: {  	s30 =	simm.s32 $0x16800  }
0xe6: {  	[tilespmem:s30], [sflag:$0x5] =	stream.indirect_vreg.gather [hbm4b:s11+s4], $0x80, v5, vm0, $0xb8;
	[tilespmem:$0x18800] =	vst v63  }
0xe7: {  	s30 =	simm.s32 $0x17000  }
0xe8: {  	[tilespmem:s30], [sflag:$0x5] =	stream.indirect_vreg.gather [hbm4b:s12+s4], $0x80, v5, vm0, $0xb8;
	[tilespmem:$0x18800] =	vst v63  }
0xe9: {  	s30 =	simm.s32 $0x17800  }
0xea: {  	[tilespmem:s30], [sflag:$0x5] =	stream.indirect_vreg.gather [hbm4b:s13+s4], $0x80, v5, vm0, $0xb8;
	[tilespmem:$0x18800] =	vst v63  }
0xeb: {  	s30 =	simm.s32 $0x18000  }
0xec: {  	[tilespmem:s30], [sflag:$0x5] =	stream.indirect_vreg.gather [hbm4b:s14+s4], $0x80, v5, vm0, $0xb8;
	[tilespmem:$0x18800] =	vst v63  }
0xed: {  	_ =	swait.ge [sflag:s26], $0x4000  }
0xee: {  	[sflag:s26] =	ssyncset.done $0x0  }
0xef: {  	[sflag:s26] =	ssyncadd.s32 $0xFFFFC000  }
0xf0: {  	v5 =	vld [tilespmem:s5+$0x288];
	_ =	sdelay $0x4  }
0xf1: {  	vm2 =	vgt.s32 v5, $0x1869F  }
0xf2: {  	vm2 =	vmand vm2, vm1  }
0xf3: {  	v6 =	vsel vm2, $0x1, v0  }
0xf4: {  	v6 =	vor.u32 $0x80000000, v6  }
0xf5: {  	(xrf0) =	vmax.scan.msk.u32 $0xffff, v6;
	_ =	sdelay $0x5  }
0xf6: {  	v6, _, _ =	vpop (xrf0)  }
0xf7: {  	(v2sf) =	vpush v6, $0xF;
	_ =	sdelay $0xe  }
0xf8: {  	s30 =	spop (v2sf)  }
0xf9: {  	p0 =	slt.u32 s30, $0x80000001  }
.Ltmp6:
0xfa: {  	_ = 	snop;
	(pc) =	sbr.rel @p0 .LBB2_14-.Ltmp6, $1  }
0xfb: {  	_ =	sdelay $0x3  }
0xfc: {  	v5 =	vadd.s32 $0xFFFE7960, v5;
	s30 =	simm.s32 $0x0  }
0xfd: {  	vm3 =	vgt.s32 v5, $0x0;
	v6 =	vmov s30  }
0xfe: {  	v5 =	vnsel vm3, $0x0, v5;
	v7 =	vshll.u32 v6, $0x2  }
0xff: {  	v6 =	vand.u32 $0x7F, v6;
	v5 =	vmin.u32 v5, $0x2;
	v7 =	vand.u32 $0x3E00, v7  }
0x100: {  	v5 =	vshll.u32 v5, $0x7;
	v8 =	vor.u32 v6, v7  }
0x101: {  	v7 =	vor.u32 v5, v8  }
0x102: {  	s30 =	simm.s32 $0x1  }
0x103: {  	v6 =	vmov s30  }
0x104: {  	v9 =	vshll.u32 v6, $0x2  }
0x105: {  	v6 =	vand.u32 $0x7F, v6;
	v9 =	vand.u32 $0x3E00, v9  }
0x106: {  	v6 =	vor.u32 v6, v9;
	v9 =	vor.u32 v4, v8;
	v7 =	vld.idx.msk [tilespmem:v7+s18+$0x0], vm2  }
0x107: {  	v8 =	vor.u32 v5, v6;
	_ =	sdelay $0x1  }
0x108: {  	s30 =	simm.s32 $0x2  }
0x109: {  	v10 =	vmov s30;
	s30 =	simm.s32 $0x3  }
.LBB2_12:
0x10a: {  	p0 =	sne.s32 s30, $0xFFF;
	v11 =	vshll.u32 v10, $0x2;
	[tilespmem:v9+s29+$0x0] =	vst.idx.msk vm2, v7  }
0x10b: {  	v10 =	vand.u32 $0x7F, v10;
	v11 =	vand.u32 $0x3E00, v11;
	v7 =	vld.idx.msk [tilespmem:v8+s18+$0x0], vm2  }
.Ltmp7:
0x10c: {  	v9 =	vor.u32 v4, v6;
	v6 =	vor.u32 v10, v11;
	(pc) =	sbr.rel @p0 .LBB2_12-.Ltmp7, $2  }
0x10d: {  	v8 =	vor.u32 v5, v6;
	_ =	sdelay $0x2  }
0x10e: {  	v10 =	vmov s30;
	s30 =	sadd.s32 $0x1, s30  }
0x10f: {  	_ =	sdelay $0x3  }
0x110: {  	v11 =	vshll.u32 v10, $0x2  }
0x111: {  	[tilespmem:v9+s29+$0x0] =	vst.idx.msk vm2, v7;
	v7 =	vand.u32 $0x7F, v10;
	v63 =	vand.u32 $0x3E00, v11  }
0x112: {  	v6 =	vor.u32 v4, v6;
	v8 =	vld.idx.msk [tilespmem:v8+s18+$0x0], vm2;
	v7 =	vor.u32 v7, v63  }
0x113: {  	v5 =	vor.u32 v5, v7;
	_ =	sdelay $0x3  }
0x114: {  	[tilespmem:v6+s29+$0x0] =	vst.idx.msk vm2, v8  }
0x115: {  	v6 =	vor.u32 v4, v7;
	v5 =	vld.idx.msk [tilespmem:v5+s18+$0x0], vm2;
	_ =	sdelay $0x4  }
0x116: {  	[tilespmem:v6+s29+$0x0] =	vst.idx.msk vm2, v5  }
.LBB2_14:
0x117: {  	s30 =	rddreg [dreg:$0x8]  }
0x118: {  	s15 =	sadd.s32 s15, s30  }
0x119: {  	[hbm4b:s15+s31] =	stream.strided.scatter [tilespmem:s29], [sflag:$0x7], $0x4000, s0, s31, $0x38;
	[tilespmem:$0x18800] =	vst v63  }
0x11a: {  	_ =	swait.ge [sflag:s28], $0x4000  }
0x11b: {  	[sflag:s28] =	ssyncset.done $0x0  }
0x11c: {  	p0 =	seq.s32 s25, $0x1F;
	[sflag:s28] =	ssyncadd.s32 $0xFFFFC000  }
0x11d: {  	v5 =	vld.msk @!p0 [tilespmem:s5+$0x2A8], $0xf;
	_ =	sdelay $0x4  }
0x11e: {  	v6 =	vshll.u32 @!p0 v5, $0x5  }
0x11f: {  	v7 =	vlaneseq.u32 @!p0;
	v5 =	vand.u32 @!p0 $0x7, v5;
	v6 =	vand.u32 @!p0 $0xFFFFFF00, v6  }
0x120: {  	v6 =	vor.u32 @!p0 v5, v6;
	v5 =	vand.u32 @!p0 $0x3, v7;
	v7 =	vshrl.u32 @!p0 v7, $0x2  }
0x121: {  	v8 =	vperm.xlane @!p0 v6, v5;
	v6 =	vmul.u32 @!p0 $0x8, v7;
	_ =	sdelay $0x1  }
0x122: {  	v7 =	vadd.s32 @!p0 v6, v8;
	_ =	sdelay $0x3  }
0x123: {  	vm2 =	vmmov @!p0 $0xffff;
	s30 =	simm.s32 @!p0 $0x4800;
	s15 =	simm.s32 @!p0 $0x0  }
0x124: {  	[tilespmem:s30], [sflag:$0x1] =	stream.indirect_vreg.gather @!p0 [hbm4b:s1+s15], $0x80, v7, vm2, $0xb8;
	[tilespmem:$0x18800] =	vst v63  }
0x125: {  	s30 =	simm.s32 @!p0 $0x5000  }
0x126: {  	[tilespmem:s30], [sflag:$0x1] =	stream.indirect_vreg.gather @!p0 [hbm4b:s8+s15], $0x80, v7, vm2, $0xb8;
	[tilespmem:$0x18800] =	vst v63  }
0x127: {  	s30 =	simm.s32 @!p0 $0x5800  }
0x128: {  	[tilespmem:s30], [sflag:$0x1] =	stream.indirect_vreg.gather @!p0 [hbm4b:s9+s15], $0x80, v7, vm2, $0xb8;
	[tilespmem:$0x18800] =	vst v63  }
0x129: {  	s30 =	simm.s32 @!p0 $0x6000  }
0x12a: {  	[tilespmem:s30], [sflag:$0x1] =	stream.indirect_vreg.gather @!p0 [hbm4b:s10+s15], $0x80, v7, vm2, $0xb8;
	[tilespmem:$0x18800] =	vst v63  }
0x12b: {  	s30 =	simm.s32 @!p0 $0x6800  }
0x12c: {  	[tilespmem:s30], [sflag:$0x1] =	stream.indirect_vreg.gather @!p0 [hbm4b:s11+s15], $0x80, v7, vm2, $0xb8;
	[tilespmem:$0x18800] =	vst v63  }
0x12d: {  	s30 =	simm.s32 @!p0 $0x7000  }
0x12e: {  	[tilespmem:s30], [sflag:$0x1] =	stream.indirect_vreg.gather @!p0 [hbm4b:s12+s15], $0x80, v7, vm2, $0xb8;
	[tilespmem:$0x18800] =	vst v63  }
0x12f: {  	s30 =	simm.s32 @!p0 $0x7800  }
0x130: {  	[tilespmem:s30], [sflag:$0x1] =	stream.indirect_vreg.gather @!p0 [hbm4b:s13+s15], $0x80, v7, vm2, $0xb8;
	[tilespmem:$0x18800] =	vst v63  }
0x131: {  	s30 =	simm.s32 @!p0 $0x8000  }
0x132: {  	[tilespmem:s30], [sflag:$0x1] =	stream.indirect_vreg.gather @!p0 [hbm4b:s14+s15], $0x80, v7, vm2, $0xb8;
	[tilespmem:$0x18800] =	vst v63  }
0x133: {  	_ =	swait.ge [sflag:s16], $0x4000  }
0x134: {  	[sflag:s16] =	ssyncset.done $0x0  }
0x135: {  	[sflag:s16] =	ssyncadd.s32 $0xFFFFC000  }
0x136: {  	v7 =	vld [tilespmem:s5+$0x290];
	_ =	sdelay $0x4  }
0x137: {  	vm3 =	vgt.s32 v7, $0x1869F  }
0x138: {  	vm3 =	vmand vm3, vm1  }
0x139: {  	v8 =	vsel vm3, $0x1, v0  }
0x13a: {  	v8 =	vor.u32 $0x80000000, v8  }
0x13b: {  	(xrf0) =	vmax.scan.msk.u32 $0xffff, v8;
	_ =	sdelay $0x5  }
0x13c: {  	v8, _, _ =	vpop (xrf0)  }
0x13d: {  	(v2sf) =	vpush v8, $0xF;
	_ =	sdelay $0xe  }
0x13e: {  	s30 =	spop (v2sf)  }
0x13f: {  	p1 =	slt.u32 s30, $0x80000001  }
.Ltmp8:
0x140: {  	_ = 	snop;
	(pc) =	sbr.rel @p1 .LBB2_18-.Ltmp8, $1  }
0x141: {  	_ =	sdelay $0x3  }
0x142: {  	v7 =	vadd.s32 $0xFFFE7960, v7;
	s30 =	simm.s32 $0x0  }
0x143: {  	vm4 =	vgt.s32 v7, $0x0;
	v8 =	vmov s30  }
0x144: {  	v7 =	vnsel vm4, $0x0, v7;
	v9 =	vshll.u32 v8, $0x2  }
0x145: {  	v8 =	vand.u32 $0x7F, v8;
	v7 =	vmin.u32 v7, $0x2;
	v9 =	vand.u32 $0x3E00, v9  }
0x146: {  	v7 =	vshll.u32 v7, $0x7;
	v10 =	vor.u32 v8, v9  }
0x147: {  	v9 =	vor.u32 v7, v10  }
0x148: {  	s30 =	simm.s32 $0x1  }
0x149: {  	v8 =	vmov s30  }
0x14a: {  	v11 =	vshll.u32 v8, $0x2  }
0x14b: {  	v8 =	vand.u32 $0x7F, v8;
	v11 =	vand.u32 $0x3E00, v11  }
0x14c: {  	v8 =	vor.u32 v8, v11;
	v11 =	vor.u32 v4, v10;
	v9 =	vld.idx.msk [tilespmem:v9+s18+$0x0], vm3  }
0x14d: {  	v10 =	vor.u32 v7, v8;
	_ =	sdelay $0x1  }
0x14e: {  	s30 =	simm.s32 $0x2  }
0x14f: {  	v12 =	vmov s30;
	s30 =	simm.s32 $0x3  }
.LBB2_16:
0x150: {  	p1 =	sne.s32 s30, $0xFFF;
	v13 =	vshll.u32 v12, $0x2;
	[tilespmem:v11+s23+$0x0] =	vst.idx.msk vm3, v9  }
0x151: {  	v12 =	vand.u32 $0x7F, v12;
	v13 =	vand.u32 $0x3E00, v13;
	v9 =	vld.idx.msk [tilespmem:v10+s18+$0x0], vm3  }
.Ltmp9:
0x152: {  	v11 =	vor.u32 v4, v8;
	v8 =	vor.u32 v12, v13;
	(pc) =	sbr.rel @p1 .LBB2_16-.Ltmp9, $2  }
0x153: {  	v10 =	vor.u32 v7, v8;
	_ =	sdelay $0x2  }
0x154: {  	v12 =	vmov s30;
	s30 =	sadd.s32 $0x1, s30  }
0x155: {  	_ =	sdelay $0x3  }
0x156: {  	v13 =	vshll.u32 v12, $0x2  }
0x157: {  	[tilespmem:v11+s23+$0x0] =	vst.idx.msk vm3, v9;
	v62 =	vand.u32 $0x7F, v12;
	v63 =	vand.u32 $0x3E00, v13  }
0x158: {  	v8 =	vor.u32 v4, v8;
	v10 =	vld.idx.msk [tilespmem:v10+s18+$0x0], vm3;
	v9 =	vor.u32 v62, v63  }
0x159: {  	v7 =	vor.u32 v7, v9;
	_ =	sdelay $0x3  }
0x15a: {  	[tilespmem:v8+s23+$0x0] =	vst.idx.msk vm3, v10  }
0x15b: {  	v8 =	vor.u32 v4, v9;
	v7 =	vld.idx.msk [tilespmem:v7+s18+$0x0], vm3;
	_ =	sdelay $0x4  }
0x15c: {  	[tilespmem:v8+s23+$0x0] =	vst.idx.msk vm3, v7  }
.LBB2_18:
0x15d: {  	s30 =	sadd.s32 $0x1000, s6  }
0x15e: {  	[hbm4b:s30+s31] =	stream.strided.scatter [tilespmem:s23], [sflag:$0x8], $0x4000, s0, s31, $0x38;
	[tilespmem:$0x18800] =	vst v63  }
0x15f: {  	_ =	swait.ge [sflag:s17], $0x4000  }
0x160: {  	[sflag:s17] =	ssyncset.done $0x0  }
0x161: {  	[sflag:s17] =	ssyncadd.s32 $0xFFFFC000  }
0x162: {  	v7 =	vld.msk @!p0 [tilespmem:s5+$0x2B0], $0xf;
	_ =	sdelay $0x4  }
0x163: {  	v8 =	vshll.u32 @!p0 v7, $0x5  }
0x164: {  	v7 =	vand.u32 @!p0 $0x7, v7;
	v8 =	vand.u32 @!p0 $0xFFFFFF00, v8  }
0x165: {  	v7 =	vor.u32 @!p0 v7, v8  }
0x166: {  	v5 =	vperm.xlane @!p0 v7, v5;
	_ =	sdelay $0x1  }
0x167: {  	v5 =	vadd.s32 @!p0 v6, v5;
	_ =	sdelay $0x3  }
0x168: {  	s30 =	simm.s32 @!p0 $0x8800  }
0x169: {  	[tilespmem:s30], [sflag:$0x2] =	stream.indirect_vreg.gather @!p0 [hbm4b:s1+s15], $0x80, v5, vm2, $0xb8;
	[tilespmem:$0x18800] =	vst v63  }
0x16a: {  	s30 =	simm.s32 @!p0 $0x9000  }
0x16b: {  	[tilespmem:s30], [sflag:$0x2] =	stream.indirect_vreg.gather @!p0 [hbm4b:s8+s15], $0x80, v5, vm2, $0xb8;
	[tilespmem:$0x18800] =	vst v63  }
0x16c: {  	s30 =	simm.s32 @!p0 $0x9800  }
0x16d: {  	[tilespmem:s30], [sflag:$0x2] =	stream.indirect_vreg.gather @!p0 [hbm4b:s9+s15], $0x80, v5, vm2, $0xb8;
	[tilespmem:$0x18800] =	vst v63  }
0x16e: {  	s30 =	simm.s32 @!p0 $0xA000  }
0x16f: {  	[tilespmem:s30], [sflag:$0x2] =	stream.indirect_vreg.gather @!p0 [hbm4b:s10+s15], $0x80, v5, vm2, $0xb8;
	[tilespmem:$0x18800] =	vst v63  }
0x170: {  	s30 =	simm.s32 @!p0 $0xA800  }
0x171: {  	[tilespmem:s30], [sflag:$0x2] =	stream.indirect_vreg.gather @!p0 [hbm4b:s11+s15], $0x80, v5, vm2, $0xb8;
	[tilespmem:$0x18800] =	vst v63  }
0x172: {  	s30 =	simm.s32 @!p0 $0xB000  }
0x173: {  	[tilespmem:s30], [sflag:$0x2] =	stream.indirect_vreg.gather @!p0 [hbm4b:s12+s15], $0x80, v5, vm2, $0xb8;
	[tilespmem:$0x18800] =	vst v63  }
0x174: {  	s30 =	simm.s32 @!p0 $0xB800  }
0x175: {  	[tilespmem:s30], [sflag:$0x2] =	stream.indirect_vreg.gather @!p0 [hbm4b:s13+s15], $0x80, v5, vm2, $0xb8;
	[tilespmem:$0x18800] =	vst v63  }
0x176: {  	s30 =	simm.s32 @!p0 $0xC000  }
0x177: {  	[tilespmem:s30], [sflag:$0x2] =	stream.indirect_vreg.gather @!p0 [hbm4b:s14+s15], $0x80, v5, vm2, $0xb8;
	[tilespmem:$0x18800] =	vst v63  }
0x178: {  	_ =	swait.ge [sflag:s3], $0x4000  }
0x179: {  	[sflag:s3] =	ssyncset.done $0x0  }
0x17a: {  	[sflag:s3] =	ssyncadd.s32 $0xFFFFC000  }
0x17b: {  	v5 =	vld [tilespmem:s5+$0x298];
	_ =	sdelay $0x4  }
0x17c: {  	vm3 =	vgt.s32 v5, $0x1869F  }
0x17d: {  	vm3 =	vmand vm3, vm1  }
0x17e: {  	v6 =	vsel vm3, $0x1, v0  }
0x17f: {  	v6 =	vor.u32 $0x80000000, v6  }
0x180: {  	(xrf0) =	vmax.scan.msk.u32 $0xffff, v6;
	_ =	sdelay $0x5  }
0x181: {  	v6, _, _ =	vpop (xrf0)  }
0x182: {  	(v2sf) =	vpush v6, $0xF;
	_ =	sdelay $0xe  }
0x183: {  	s30 =	spop (v2sf)  }
0x184: {  	p1 =	slt.u32 s30, $0x80000001  }
.Ltmp10:
0x185: {  	_ = 	snop;
	(pc) =	sbr.rel @p1 .LBB2_22-.Ltmp10, $1  }
0x186: {  	_ =	sdelay $0x3  }
0x187: {  	v5 =	vadd.s32 $0xFFFE7960, v5;
	s15 =	simm.s32 $0x0  }
0x188: {  	vm4 =	vgt.s32 v5, $0x0;
	v6 =	vmov s15  }
0x189: {  	v5 =	vnsel vm4, $0x0, v5;
	v7 =	vshll.u32 v6, $0x2  }
0x18a: {  	v6 =	vand.u32 $0x7F, v6;
	v5 =	vmin.u32 v5, $0x2;
	v7 =	vand.u32 $0x3E00, v7  }
0x18b: {  	v5 =	vshll.u32 v5, $0x7;
	v8 =	vor.u32 v6, v7  }
0x18c: {  	v7 =	vor.u32 v5, v8  }
0x18d: {  	s30 =	simm.s32 $0x1  }
0x18e: {  	v6 =	vmov s30  }
0x18f: {  	v9 =	vshll.u32 v6, $0x2  }
0x190: {  	v6 =	vand.u32 $0x7F, v6;
	v9 =	vand.u32 $0x3E00, v9  }
0x191: {  	v6 =	vor.u32 v6, v9;
	v9 =	vor.u32 v4, v8;
	v7 =	vld.idx.msk [tilespmem:v7+s18+$0x0], vm3  }
0x192: {  	v8 =	vor.u32 v5, v6;
	_ =	sdelay $0x1  }
0x193: {  	s30 =	simm.s32 $0x2  }
0x194: {  	s15 =	simm.s32 $0x3;
	v10 =	vmov s30  }
.LBB2_20:
0x195: {  	p1 =	sne.s32 s15, $0xFFF;
	v11 =	vshll.u32 v10, $0x2;
	[tilespmem:v9+s2+$0x0] =	vst.idx.msk vm3, v7  }
0x196: {  	v10 =	vand.u32 $0x7F, v10;
	v11 =	vand.u32 $0x3E00, v11;
	v7 =	vld.idx.msk [tilespmem:v8+s18+$0x0], vm3  }
.Ltmp11:
0x197: {  	v9 =	vor.u32 v4, v6;
	v6 =	vor.u32 v10, v11;
	(pc) =	sbr.rel @p1 .LBB2_20-.Ltmp11, $2  }
0x198: {  	v8 =	vor.u32 v5, v6;
	_ =	sdelay $0x2  }
0x199: {  	v10 =	vmov s15;
	s15 =	sadd.s32 $0x1, s15  }
0x19a: {  	_ =	sdelay $0x3  }
0x19b: {  	v11 =	vshll.u32 v10, $0x2  }
0x19c: {  	[tilespmem:v9+s2+$0x0] =	vst.idx.msk vm3, v7;
	v7 =	vand.u32 $0x7F, v10;
	v63 =	vand.u32 $0x3E00, v11  }
0x19d: {  	v6 =	vor.u32 v4, v6;
	v8 =	vld.idx.msk [tilespmem:v8+s18+$0x0], vm3;
	v7 =	vor.u32 v7, v63  }
0x19e: {  	v5 =	vor.u32 v5, v7;
	_ =	sdelay $0x3  }
0x19f: {  	[tilespmem:v6+s2+$0x0] =	vst.idx.msk vm3, v8  }
0x1a0: {  	v6 =	vor.u32 v4, v7;
	v5 =	vld.idx.msk [tilespmem:v5+s18+$0x0], vm3;
	_ =	sdelay $0x4  }
0x1a1: {  	[tilespmem:v6+s2+$0x0] =	vst.idx.msk vm3, v5  }
.LBB2_22:
0x1a2: {  	s15 =	sadd.s32 $0x1040, s6  }
0x1a3: {  	[hbm4b:s15+s31] =	stream.strided.scatter [tilespmem:s2], [sflag:$0x9], $0x4000, s0, s31, $0x38;
	[tilespmem:$0x18800] =	vst v63  }
0x1a4: {  	_ =	swait.ge [sflag:s21], $0x4000  }
0x1a5: {  	[sflag:s21] =	ssyncset.done $0x0  }
0x1a6: {  	[sflag:s21] =	ssyncadd.s32 $0xFFFFC000  }
0x1a7: {  	v5 =	vld.msk @!p0 [tilespmem:s5+$0x2B8], $0xf;
	_ =	sdelay $0x4  }
0x1a8: {  	v6 =	vshll.u32 @!p0 v5, $0x5  }
0x1a9: {  	v7 =	vlaneseq.u32 @!p0;
	v5 =	vand.u32 @!p0 $0x7, v5;
	v6 =	vand.u32 @!p0 $0xFFFFFF00, v6  }
0x1aa: {  	v5 =	vor.u32 @!p0 v5, v6;
	v6 =	vand.u32 @!p0 $0x3, v7;
	v7 =	vshrl.u32 @!p0 v7, $0x2  }
0x1ab: {  	v5 =	vperm.xlane @!p0 v5, v6;
	v6 =	vmul.u32 @!p0 $0x8, v7;
	_ =	sdelay $0x1  }
0x1ac: {  	v5 =	vadd.s32 @!p0 v6, v5;
	_ =	sdelay $0x3  }
0x1ad: {  	s30 =	simm.s32 @!p0 $0xC800;
	s15 =	simm.s32 @!p0 $0x0  }
0x1ae: {  	[tilespmem:s30], [sflag:$0x3] =	stream.indirect_vreg.gather @!p0 [hbm4b:s1+s15], $0x80, v5, vm2, $0xb8;
	[tilespmem:$0x18800] =	vst v63  }
0x1af: {  	s30 =	simm.s32 @!p0 $0xD000  }
0x1b0: {  	[tilespmem:s30], [sflag:$0x3] =	stream.indirect_vreg.gather @!p0 [hbm4b:s8+s15], $0x80, v5, vm2, $0xb8;
	[tilespmem:$0x18800] =	vst v63  }
0x1b1: {  	s30 =	simm.s32 @!p0 $0xD800  }
0x1b2: {  	[tilespmem:s30], [sflag:$0x3] =	stream.indirect_vreg.gather @!p0 [hbm4b:s9+s15], $0x80, v5, vm2, $0xb8;
	[tilespmem:$0x18800] =	vst v63  }
0x1b3: {  	s30 =	simm.s32 @!p0 $0xE000  }
0x1b4: {  	[tilespmem:s30], [sflag:$0x3] =	stream.indirect_vreg.gather @!p0 [hbm4b:s10+s15], $0x80, v5, vm2, $0xb8;
	[tilespmem:$0x18800] =	vst v63  }
0x1b5: {  	s30 =	simm.s32 @!p0 $0xE800  }
0x1b6: {  	[tilespmem:s30], [sflag:$0x3] =	stream.indirect_vreg.gather @!p0 [hbm4b:s11+s15], $0x80, v5, vm2, $0xb8;
	[tilespmem:$0x18800] =	vst v63  }
0x1b7: {  	s30 =	simm.s32 @!p0 $0xF000  }
0x1b8: {  	[tilespmem:s30], [sflag:$0x3] =	stream.indirect_vreg.gather @!p0 [hbm4b:s12+s15], $0x80, v5, vm2, $0xb8;
	[tilespmem:$0x18800] =	vst v63  }
0x1b9: {  	s30 =	simm.s32 @!p0 $0xF800  }
0x1ba: {  	[tilespmem:s30], [sflag:$0x3] =	stream.indirect_vreg.gather @!p0 [hbm4b:s13+s15], $0x80, v5, vm2, $0xb8;
	[tilespmem:$0x18800] =	vst v63  }
0x1bb: {  	s30 =	simm.s32 @!p0 $0x10000  }
0x1bc: {  	[tilespmem:s30], [sflag:$0x3] =	stream.indirect_vreg.gather @!p0 [hbm4b:s14+s15], $0x80, v5, vm2, $0xb8;
	[tilespmem:$0x18800] =	vst v63  }
0x1bd: {  	_ =	swait.ge [sflag:s22], $0x4000  }
0x1be: {  	[sflag:s22] =	ssyncset.done $0x0  }
0x1bf: {  	[sflag:s22] =	ssyncadd.s32 $0xFFFFC000  }
0x1c0: {  	v5 =	vld [tilespmem:s5+$0x2A0];
	_ =	sdelay $0x4  }
0x1c1: {  	vm2 =	vgt.s32 v5, $0x1869F  }
0x1c2: {  	vm2 =	vmand vm2, vm1  }
0x1c3: {  	v6 =	vsel vm2, $0x1, v0  }
0x1c4: {  	v6 =	vor.u32 $0x80000000, v6  }
0x1c5: {  	(xrf0) =	vmax.scan.msk.u32 $0xffff, v6;
	_ =	sdelay $0x5  }
0x1c6: {  	v6, _, _ =	vpop (xrf0)  }
0x1c7: {  	(v2sf) =	vpush v6, $0xF;
	_ =	sdelay $0xe  }
0x1c8: {  	s30 =	spop (v2sf)  }
0x1c9: {  	p1 =	slt.u32 s30, $0x80000001  }
.Ltmp12:
0x1ca: {  	_ = 	snop;
	(pc) =	sbr.rel @p1 .LBB2_26-.Ltmp12, $1  }
0x1cb: {  	_ =	sdelay $0x3  }
0x1cc: {  	v5 =	vadd.s32 $0xFFFE7960, v5;
	s15 =	simm.s32 $0x0  }
0x1cd: {  	vm3 =	vgt.s32 v5, $0x0;
	v6 =	vmov s15  }
0x1ce: {  	v5 =	vnsel vm3, $0x0, v5;
	v7 =	vshll.u32 v6, $0x2  }
0x1cf: {  	v6 =	vand.u32 $0x7F, v6;
	v5 =	vmin.u32 v5, $0x2;
	v7 =	vand.u32 $0x3E00, v7  }
0x1d0: {  	v5 =	vshll.u32 v5, $0x7;
	v8 =	vor.u32 v6, v7  }
0x1d1: {  	v7 =	vor.u32 v5, v8  }
0x1d2: {  	s30 =	simm.s32 $0x1  }
0x1d3: {  	v6 =	vmov s30  }
0x1d4: {  	v9 =	vshll.u32 v6, $0x2  }
0x1d5: {  	v6 =	vand.u32 $0x7F, v6;
	v9 =	vand.u32 $0x3E00, v9  }
0x1d6: {  	v6 =	vor.u32 v6, v9;
	v9 =	vor.u32 v4, v8;
	v7 =	vld.idx.msk [tilespmem:v7+s18+$0x0], vm2  }
0x1d7: {  	v8 =	vor.u32 v5, v6;
	_ =	sdelay $0x1  }
0x1d8: {  	s30 =	simm.s32 $0x2  }
0x1d9: {  	s15 =	simm.s32 $0x3;
	v10 =	vmov s30  }
.LBB2_24:
0x1da: {  	p1 =	sne.s32 s15, $0xFFF;
	v11 =	vshll.u32 v10, $0x2;
	[tilespmem:v9+s7+$0x0] =	vst.idx.msk vm2, v7  }
0x1db: {  	v10 =	vand.u32 $0x7F, v10;
	v11 =	vand.u32 $0x3E00, v11;
	v7 =	vld.idx.msk [tilespmem:v8+s18+$0x0], vm2  }
.Ltmp13:
0x1dc: {  	v9 =	vor.u32 v4, v6;
	v6 =	vor.u32 v10, v11;
	(pc) =	sbr.rel @p1 .LBB2_24-.Ltmp13, $2  }
0x1dd: {  	v8 =	vor.u32 v5, v6;
	_ =	sdelay $0x2  }
0x1de: {  	v10 =	vmov s15;
	s15 =	sadd.s32 $0x1, s15  }
0x1df: {  	_ =	sdelay $0x3  }
0x1e0: {  	v11 =	vshll.u32 v10, $0x2  }
0x1e1: {  	[tilespmem:v9+s7+$0x0] =	vst.idx.msk vm2, v7;
	v7 =	vand.u32 $0x7F, v10;
	v63 =	vand.u32 $0x3E00, v11  }
0x1e2: {  	v6 =	vor.u32 v4, v6;
	v8 =	vld.idx.msk [tilespmem:v8+s18+$0x0], vm2;
	v7 =	vor.u32 v7, v63  }
0x1e3: {  	v5 =	vor.u32 v5, v7;
	_ =	sdelay $0x3  }
0x1e4: {  	[tilespmem:v6+s7+$0x0] =	vst.idx.msk vm2, v8  }
0x1e5: {  	v6 =	vor.u32 v4, v7;
	v5 =	vld.idx.msk [tilespmem:v5+s18+$0x0], vm2;
	_ =	sdelay $0x4  }
0x1e6: {  	[tilespmem:v6+s7+$0x0] =	vst.idx.msk vm2, v5  }
.LBB2_26:
.Ltmp14:
0x1e7: {  	s6 =	sadd.s32 $0x2000, s6;
	(pc) =	sbr.rel @p0 .LBB2_28-.Ltmp14, $4  }
0x1e8: {  	[hbm4b:s6+s31] =	stream.strided.scatter [tilespmem:s7], [sflag:$0xA], $0x4000, s0, s31, $0x38;
	[tilespmem:$0x18800] =	vst v63  }
0x1e9: {  	_ =	swait.ge [sflag:s24], $0x4000  }
0x1ea: {  	[sflag:s24] =	ssyncset.done $0x0  }
0x1eb: {  	[sflag:s24] =	ssyncadd.s32 $0xFFFFC000  }
0x1ec: {  	v5 =	vld.msk [tilespmem:s5+$0x2C0], $0xf;
	_ =	sdelay $0x4  }
0x1ed: {  	v6 =	vshll.u32 v5, $0x5  }
0x1ee: {  	v5 =	vand.u32 $0x7, v5;
	v6 =	vand.u32 $0xFFFFFF00, v6  }
0x1ef: {  	v5 =	vor.u32 v5, v6  }
0x1f0: {  	v5 =	vperm.xlane v5, v2;
	_ =	sdelay $0x1  }
0x1f1: {  	v5 =	vadd.s32 v3, v5;
	_ =	sdelay $0x4  }
0x1f2: {  	[tilespmem:s2], [sflag:$0x4] =	stream.indirect_vreg.gather [hbm4b:s1+s4], $0x80, v5, vm0, $0xb8;
	[tilespmem:$0x18800] =	vst v63  }
0x1f3: {  	s30 =	simm.s32 $0x11000  }
0x1f4: {  	[tilespmem:s30], [sflag:$0x4] =	stream.indirect_vreg.gather [hbm4b:s8+s4], $0x80, v5, vm0, $0xb8;
	[tilespmem:$0x18800] =	vst v63  }
0x1f5: {  	s6 =	simm.s32 $0x11800  }
0x1f6: {  	[tilespmem:s6], [sflag:$0x4] =	stream.indirect_vreg.gather [hbm4b:s9+s4], $0x80, v5, vm0, $0xb8;
	[tilespmem:$0x18800] =	vst v63  }
0x1f7: {  	s15 =	simm.s32 $0x12000  }
0x1f8: {  	[tilespmem:s15], [sflag:$0x4] =	stream.indirect_vreg.gather [hbm4b:s10+s4], $0x80, v5, vm0, $0xb8;
	[tilespmem:$0x18800] =	vst v63  }
0x1f9: {  	s30 =	simm.s32 $0x12800  }
0x1fa: {  	[tilespmem:s30], [sflag:$0x4] =	stream.indirect_vreg.gather [hbm4b:s11+s4], $0x80, v5, vm0, $0xb8;
	[tilespmem:$0x18800] =	vst v63  }
0x1fb: {  	s6 =	simm.s32 $0x13000  }
0x1fc: {  	[tilespmem:s6], [sflag:$0x4] =	stream.indirect_vreg.gather [hbm4b:s12+s4], $0x80, v5, vm0, $0xb8;
	[tilespmem:$0x18800] =	vst v63  }
.Ltmp15:
0x1fd: {  	_ = 	snop;
	(pc) =	sbr.rel .LBB2_6-.Ltmp15, $4  }
0x1fe: {  	s15 =	simm.s32 $0x13800  }
0x1ff: {  	[tilespmem:s15], [sflag:$0x4] =	stream.indirect_vreg.gather [hbm4b:s13+s4], $0x80, v5, vm0, $0xb8;
	[tilespmem:$0x18800] =	vst v63  }
0x200: {  	s25 =	sadd.s32 $0x1, s25;
	s30 =	simm.s32 $0x14000  }
0x201: {  	[tilespmem:s30], [sflag:$0x4] =	stream.indirect_vreg.gather [hbm4b:s14+s4], $0x80, v5, vm0, $0xb8;
	[tilespmem:$0x18800] =	vst v63  }
.LBB2_29:
0x202: {  	_ =	sfence.sel $0x180000  }
0x203: {  	[bflag:$0x0] =	sbarrier.arrive $0xFFFF  }
0x204: {  	_ =	strace $0x90000047  }
0x205: {  	s0 =	stileid.u32;
	[bflag:$0x2] =	sbarrier.arrive $0xFFFF  }
0x206: {  	p0 =	sne.s32 s0, $0x0;
	s0 =	rddreg [dreg:$0x4]  }
0x207: {  	s0 =	sadd.s32 @!p0 $0x100000, s0  }
0x208: {  	[sflag:s0] =	ssyncadd.tile.s32 @!p0 $0x1;
	_ =	shalt  }
.Lfunc_end2:
_tile_overlayer_lowered:
.L_overlay_start_2:
0x209: {  	(tag) =	ssettag $0x2  }
0x20a: {  	s0 =	rddreg [dreg:$0x0];
	s2 =	stileid.u32  }
0x20b: {  	s1 =	rddreg [dreg:$0x1];
	p0 =	sne.s32 s2, $0x0  }
0x20c: {  	s3 =	rddreg [dreg:$0x2];
	[bflag:$0x3] =	sbarrier.arrive $0xFFFF;
	s2 =	simm.s32 @!p0 $0x1C0B  }
0x20d: {  	[timem:s3], [sflag:s2] =	dma.local @!p0 [hbm:s0], s1  }
0x20e: {  	s0 =	simm.s32 @!p0 $0xB  }
0x20f: {  	_ =	swait.ge @!p0 [sflag:s0], s1  }
0x210: {  	s1 =	ssub.s32 @!p0 $0x0, s1;
	[sflag:s0] =	ssyncset.done @!p0 $0x0  }
0x211: {  	[sflag:s0] =	ssyncadd.s32 @!p0 s1  }
0x212: {  	[bflag:$0x3] =	sbarrier.arrive $0xFFFF  }
0x213: {  	_ =	shalt  }

</sc_bundles>
